<compile_context>
chip_gen: v7x
topology: tpu7x:2x2x1
jax: 0.10.2.dev20260603
libtpu: 0.0.44.dev20260713+nightly
codegen_flags: <defaults>
</compile_context>

<pallas_src>
import dataclasses
import functools

import jax
import jax.numpy as jnp
from jax import lax
from jax.experimental import pallas as pl
from jax.experimental.pallas import tpu as pltpu
from jax.experimental.pallas import tpu_sc as plsc

B = 16
IN_LEN = 50000
OUT_LEN = 5000
NNZ = 1600000
NCORES = 2
LANES = 16
NE = 8
ELEN = 640
OUT_PAD = NE * ELEN
SBLK = 8192
LSTRIDE = SBLK // LANES
NBLK = -(-NNZ // SBLK)
NNZ_PAD = NBLK * SBLK
CHUNK = 4096
UNROLL = 8


def _body(xp_hbm, pk_hbm, w_hbm, bias_hbm, off_hbm, out_hbm,
          xq0, xq1, acc0, acc1, acc2, acc3, pbuf0, wbuf0, pbuf1, wbuf1,
          offv, bbuf, sem_a, sem_b):
    c_idx = lax.axis_index("c")
    s_idx = lax.axis_index("s")
    wid = s_idx * NCORES + c_idx
    bq = wid % (B // 4)
    e = wid // (B // 4)

    pltpu.sync_copy(xp_hbm.at[2 * bq], xq0)
    pltpu.sync_copy(xp_hbm.at[2 * bq + 1], xq1)
    pltpu.sync_copy(off_hbm, offv)

    iot = lax.iota(jnp.int32, LANES)
    iot_s = iot * LSTRIDE
    ov = offv[...]
    n_lo = jnp.sum(jnp.where(iot == e, ov, 0))
    n_hi = jnp.sum(jnp.where(iot == e + 1, ov, 0))

    c0 = e * ELEN
    pltpu.sync_copy(bias_hbm.at[pl.ds(c0, ELEN)], bbuf)

    @pl.loop(0, ELEN, step=LANES)
    def _init(j):
        bv = bbuf[pl.ds(j, LANES)]
        acc0[pl.ds(j, LANES)] = bv
        acc1[pl.ds(j, LANES)] = bv
        acc2[pl.ds(j, LANES)] = bv
        acc3[pl.ds(j, LANES)] = bv

    lo_al = n_lo & ~(SBLK - 1)
    hi_end = (n_hi + SBLK - 1) & ~(SBLK - 1)
    nchunks = (hi_end - lo_al) // CHUNK

    def copies(k, pb, wb, sem):
        base = pl.multiple_of(
            jnp.minimum(lo_al + k * CHUNK, NNZ_PAD - CHUNK), CHUNK)
        return (
            pltpu.make_async_copy(pk_hbm.at[pl.ds(base, CHUNK)], pb, sem),
            pltpu.make_async_copy(w_hbm.at[pl.ds(base, CHUNK)], wb, sem),
        )

    def issue(k, pb, wb, sem):
        for c in copies(k, pb, wb, sem):
            c.start()

    def drain(k, pb, wb, sem):
        for c in copies(k, pb, wb, sem):
            c.wait()

    def macs(pb, wb, j, m):
        sl = pl.ds(j, LANES)
        pk = pb[sl]
        r = pk & 0xFFFF
        cv = jnp.right_shift(pk, 16)
        wv = wb[sl]
        x01 = plsc.load_gather(xq0, [r])
        x23 = plsc.load_gather(xq1, [r])
        xe0 = plsc.bitcast(jnp.left_shift(x01, 16), jnp.float32)
        xe1 = plsc.bitcast(x01 & jnp.int32(-65536), jnp.float32)
        xe2 = plsc.bitcast(jnp.left_shift(x23, 16), jnp.float32)
        xe3 = plsc.bitcast(x23 & jnp.int32(-65536), jnp.float32)
        plsc.addupdate_scatter(acc0, [cv], xe0 * wv, mask=m)
        plsc.addupdate_scatter(acc1, [cv], xe1 * wv, mask=m)
        plsc.addupdate_scatter(acc2, [cv], xe2 * wv, mask=m)
        plsc.addupdate_scatter(acc3, [cv], xe3 * wv, mask=m)

    def compute(k, pb, wb):
        start = lo_al + k * CHUNK
        blk0 = start & ~(SBLK - 1)
        interior = (blk0 >= n_lo) & (blk0 + SBLK <= n_hi)

        @pl.when(interior)
        def _fast():
            @plsc.parallel_loop(0, CHUNK, step=LANES, unroll=UNROLL)
            def _grp(j):
                macs(pb, wb, j, None)

        @pl.when(jnp.logical_not(interior))
        def _masked():
            gbase = blk0 + ((start & (SBLK - 1)) >> 4)

            @plsc.parallel_loop(0, CHUNK, step=LANES, unroll=UNROLL)
            def _grp(j):
                g = (gbase + (j >> 4)) + iot_s
                m = (g >= n_lo) & (g < n_hi)
                macs(pb, wb, j, m)

    issue(0, pbuf0, wbuf0, sem_a)
    npairs = (nchunks + 1) // 2

    def pair(p, carry):
        k0 = 2 * p
        drain(k0, pbuf0, wbuf0, sem_a)
        issue(k0 + 1, pbuf1, wbuf1, sem_b)
        compute(k0, pbuf0, wbuf0)
        drain(k0 + 1, pbuf1, wbuf1, sem_b)
        issue(k0 + 2, pbuf0, wbuf0, sem_a)
        compute(k0 + 1, pbuf1, wbuf1)
        return carry

    lax.fori_loop(0, npairs, pair, 0)
    drain(2 * npairs, pbuf0, wbuf0, sem_a)

    pltpu.sync_copy(acc0, out_hbm.at[4 * bq + 0, pl.ds(c0, ELEN)])
    pltpu.sync_copy(acc1, out_hbm.at[4 * bq + 1, pl.ds(c0, ELEN)])
    pltpu.sync_copy(acc2, out_hbm.at[4 * bq + 2, pl.ds(c0, ELEN)])
    pltpu.sync_copy(acc3, out_hbm.at[4 * bq + 3, pl.ds(c0, ELEN)])


def _stripe(a):
    a = jnp.pad(a, (0, NNZ_PAD - NNZ))
    return a.reshape(NBLK, LANES, LSTRIDE).transpose(0, 2, 1).reshape(-1)


@jax.jit
def kernel(x, mask_rows, mask_cols, kernel, bias):
    x2 = x.reshape(B, IN_LEN)
    xbf = lax.bitcast_convert_type(
        x2.astype(jnp.bfloat16), jnp.uint16).astype(jnp.uint32)
    xp = lax.bitcast_convert_type(
        xbf[0::2] | (xbf[1::2] << 16), jnp.int32)

    bias_pad = jnp.pad(bias[:, 0], (0, OUT_PAD - OUT_LEN))
    eb = jnp.searchsorted(
        mask_cols, jnp.arange(ELEN, OUT_LEN, ELEN, dtype=jnp.int32)
    ).astype(jnp.int32)
    off = jnp.zeros((LANES,), jnp.int32)
    off = off.at[1:NE].set(eb)
    off = off.at[NE:].set(NNZ)

    local_col = mask_cols - (mask_cols // ELEN) * ELEN
    packed = jnp.bitwise_or(jnp.left_shift(local_col, 16), mask_rows)
    pk_p = _stripe(packed)
    w_p = _stripe(kernel)

    mesh = plsc.VectorSubcoreMesh(core_axis_name="c", subcore_axis_name="s")
    cp = pltpu.CompilerParams()
    if "needs_layout_passes" in pltpu.CompilerParams.__dataclass_fields__:
        cp = dataclasses.replace(cp, needs_layout_passes=False)
    run = functools.partial(
        pl.kernel,
        compiler_params=cp,
        out_type=jax.ShapeDtypeStruct((B, OUT_PAD), jnp.float32),
        mesh=mesh,
        scratch_types=[
            pltpu.VMEM((IN_LEN,), jnp.int32),
            pltpu.VMEM((IN_LEN,), jnp.int32),
            pltpu.VMEM((ELEN,), jnp.float32),
            pltpu.VMEM((ELEN,), jnp.float32),
            pltpu.VMEM((ELEN,), jnp.float32),
            pltpu.VMEM((ELEN,), jnp.float32),
            pltpu.VMEM((CHUNK,), jnp.int32),
            pltpu.VMEM((CHUNK,), jnp.float32),
            pltpu.VMEM((CHUNK,), jnp.int32),
            pltpu.VMEM((CHUNK,), jnp.float32),
            pltpu.VMEM((LANES,), jnp.int32),
            pltpu.VMEM((ELEN,), jnp.float32),
            pltpu.SemaphoreType.DMA,
            pltpu.SemaphoreType.DMA,
        ],
    )(_body)
    outp = run(xp, pk_p, w_p, bias_pad, off)
    return outp[:, :OUT_LEN].reshape(B, OUT_LEN, 1)

# --- scband reference (transcript-rebuilt; emitter-appended) ---
"""Pipeline reference for scband-locally-directed1-d-20418274525767 (READ-ONLY COPY).

The authoritative reference and input builder live on the scoring server;
editing this copy changes nothing except your own understanding.
"""

import jax, jax.numpy as jnp
import numpy as np

B = 16
IN_LEN = 50000
OUT_LEN = 5000
NNZ = 1600000
FILTERS = 1


def setup_inputs(seed: int = 0) -> dict:
    key = jax.random.key(seed)
    k1, k2, k3, k4, k5 = jax.random.split(key, 5)
    x = jax.random.normal(k1, (B, IN_LEN, 1), dtype=jnp.float32)
    # Sparse COO connectivity mask (input_length, output_length): rows = input idx, cols = output idx.
    mask_rows = jax.random.randint(k2, (NNZ,), 0, IN_LEN, dtype=jnp.int32)
    mask_cols = jnp.sort(jax.random.randint(k3, (NNZ,), 0, OUT_LEN, dtype=jnp.int32))
    # Learned parameters: one scalar weight per nonzero mask entry (kernel), bias per output neuron.
    kernel = jax.random.normal(k4, (NNZ,), dtype=jnp.float32) * 0.05
    bias = jax.random.normal(k5, (OUT_LEN, FILTERS), dtype=jnp.float32) * 0.05
    return {"x": x, "mask_rows": mask_rows, "mask_cols": mask_cols, "kernel": kernel, "bias": bias}


def reference(x, mask_rows, mask_cols, kernel, bias):
    # Faithful translation of LocallyDirected1D.call with channels_last, filters=1,
    # linear activation, use_bias=True.
    # output_flat = sparse(kernel at (col,row), shape (OUT_LEN, IN_LEN)) @ inputs_flat^T
    inputs_flat = x.reshape(x.shape[0], -1)  # (B, IN_LEN * channels)
    gathered = jnp.take(inputs_flat, mask_rows, axis=1) * kernel[None, :]  # (B, NNZ)
    out_flat = jax.ops.segment_sum(gathered.T, mask_cols, num_segments=OUT_LEN).T  # (B, OUT_LEN)
    out = out_flat.reshape(-1, OUT_LEN, FILTERS)
    out = out + bias[None, :, :]
    return out

if __name__ == "__main__":
    import jax
    _d = setup_inputs()
    print(jax.jit(kernel)(*tuple(_d.values())))

</pallas_src>

<mosaic_0001>
#map = affine_map<(d0, d1) -> (0, 0)>
#map1 = affine_map<(d0, d1) -> (0)>
module attributes {stable_mosaic.version = 14 : i64} {
  func.func @_body(%arg0: i32, %arg1: i32, %arg2: memref<8x50000xi32, #tpu.memory_space<hbm>>, %arg3: memref<1605632xi32, #tpu.memory_space<hbm>>, %arg4: memref<1605632xf32, #tpu.memory_space<hbm>>, %arg5: memref<5120xf32, #tpu.memory_space<hbm>>, %arg6: memref<16xi32, #tpu.memory_space<hbm>>, %arg7: memref<16x5120xf32, #tpu.memory_space<hbm>>, %arg8: memref<50000xi32, #tpu.memory_space<vmem>>, %arg9: memref<50000xi32, #tpu.memory_space<vmem>>, %arg10: memref<640xf32, #tpu.memory_space<vmem>>, %arg11: memref<640xf32, #tpu.memory_space<vmem>>, %arg12: memref<640xf32, #tpu.memory_space<vmem>>, %arg13: memref<640xf32, #tpu.memory_space<vmem>>, %arg14: memref<4096xi32, #tpu.memory_space<vmem>>, %arg15: memref<4096xf32, #tpu.memory_space<vmem>>, %arg16: memref<4096xi32, #tpu.memory_space<vmem>>, %arg17: memref<4096xf32, #tpu.memory_space<vmem>>, %arg18: memref<16xi32, #tpu.memory_space<vmem>>, %arg19: memref<640xf32, #tpu.memory_space<vmem>>, %arg20: memref<!tpu.dma_semaphore, #tpu.memory_space<semaphore_mem>>, %arg21: memref<!tpu.dma_semaphore, #tpu.memory_space<semaphore_mem>>) attributes {dimension_semantics = [#tpu.dimension_semantics<core_parallel>, #tpu.dimension_semantics<subcore_parallel>], iteration_bounds = array<i64: 2, 16>, scalar_prefetch = 0 : i64, scratch_operands = 14 : i64, tpu.core_type = #tpu.core_type<sc_vector_subcore>, window_params = [{transform_indices = #map}, {transform_indices = #map1}, {transform_indices = #map1}, {transform_indices = #map1}, {transform_indices = #map1}, {transform_indices = #map}]} {
    %mul3A = arith.constant 2 : i32
    %mul3A_0 = arith.muli %arg1, %mul3A : i32
    %add3A = arith.addi %mul3A_0, %arg0 : i32
    %jit3A = arith.constant 4 : i32
    %eq3A = arith.constant 0 : i32
    %eq3A_1 = arith.cmpi eq, %jit3A, %eq3A : i32
    %jit3A_2 = arith.constant 1 : i32
    %select_n3A = arith.select %eq3A_1, %jit3A_2, %jit3A : i32
    %rem3A = arith.remsi %add3A, %select_n3A : i32
    %ne3A = arith.constant 0 : i32
    %ne3A_3 = arith.cmpi ne, %rem3A, %ne3A : i32
    %lt3A = arith.constant 0 : i32
    %lt3A_4 = arith.cmpi slt, %rem3A, %lt3A : i32
    %lt3A_5 = arith.constant 0 : i32
    %lt3A_6 = arith.cmpi slt, %select_n3A, %lt3A_5 : i32
    %ne3A_7 = arith.xori %lt3A_4, %lt3A_6 : i1
    %and3A = arith.andi %ne3A_7, %ne3A_3 : i1
    %add3A_8 = arith.addi %rem3A, %select_n3A : i32
    %select_n3A_9 = arith.select %and3A, %add3A_8, %rem3A : i32
    %jit3A_10 = arith.constant 4 : i32
    %div3A = arith.divsi %add3A, %jit3A_10 : i32
    %sign3A = arith.constant 0 : i32
    %sign3A_11 = arith.cmpi sgt, %add3A, %sign3A : i32
    %sign3A_12 = arith.extui %sign3A_11 : i1 to i32
    %sign3A_13 = arith.constant 0 : i32
    %sign3A_14 = arith.cmpi slt, %add3A, %sign3A_13 : i32
    %sign3A_15 = arith.extui %sign3A_14 : i1 to i32
    %sign3A_16 = arith.subi %sign3A_12, %sign3A_15 : i32
    %sign3A_17 = arith.constant 0 : i32
    %sign3A_18 = arith.cmpi sgt, %jit3A_10, %sign3A_17 : i32
    %sign3A_19 = arith.extui %sign3A_18 : i1 to i32
    %sign3A_20 = arith.constant 0 : i32
    %sign3A_21 = arith.cmpi slt, %jit3A_10, %sign3A_20 : i32
    %sign3A_22 = arith.extui %sign3A_21 : i1 to i32
    %sign3A_23 = arith.subi %sign3A_19, %sign3A_22 : i32
    %ne3A_24 = arith.cmpi ne, %sign3A_16, %sign3A_23 : i32
    %rem3A_25 = arith.remsi %add3A, %jit3A_10 : i32
    %ne3A_26 = arith.constant 0 : i32
    %ne3A_27 = arith.cmpi ne, %rem3A_25, %ne3A_26 : i32
    %and3A_28 = arith.andi %ne3A_24, %ne3A_27 : i1
    %sub3A = arith.constant 1 : i32
    %sub3A_29 = arith.subi %div3A, %sub3A : i32
    %select_n3A_30 = arith.select %and3A_28, %sub3A_29, %div3A : i32
    %mul3A_31 = arith.constant 2 : i32
    %mul3A_32 = arith.muli %mul3A_31, %select_n3A_9 : i32
    "tpu.region"() ({
      %run_scoped3A = tpu.sem_alloc : memref<!tpu.dma_semaphore, #tpu.memory_space<semaphore_mem>>
      %dma_start3A_166 = arith.constant 0 : i32
      %dma_start3A_167 = tpu.memref_slice %arg2[%mul3A_32, %dma_start3A_166] : memref<8x50000xi32, #tpu.memory_space<hbm>> -> memref<1x50000xi32, #tpu.memory_space<hbm>>
      %dma_start3A_168 = tpu.memref_squeeze %dma_start3A_167 : memref<1x50000xi32, #tpu.memory_space<hbm>> -> memref<50000xi32, #tpu.memory_space<hbm>>
      %dma_start3A_169 = arith.constant 0 : i32
      %dma_start3A_170 = tpu.memref_slice %arg2[%mul3A_32, %dma_start3A_169] : memref<8x50000xi32, #tpu.memory_space<hbm>> -> memref<1x50000xi32, #tpu.memory_space<hbm>>
      %dma_start3A_171 = tpu.memref_squeeze %dma_start3A_170 : memref<1x50000xi32, #tpu.memory_space<hbm>> -> memref<50000xi32, #tpu.memory_space<hbm>>
      tpu.enqueue_dma source(%dma_start3A_171 : memref<50000xi32, #tpu.memory_space<hbm>>) target(%arg8 : memref<50000xi32, #tpu.memory_space<vmem>>) target_semaphore(%run_scoped3A : memref<!tpu.dma_semaphore, #tpu.memory_space<semaphore_mem>>)
      %dma_wait3A_172 = arith.constant 0 : i32
      %dma_wait3A_173 = tpu.memref_slice %arg2[%mul3A_32, %dma_wait3A_172] : memref<8x50000xi32, #tpu.memory_space<hbm>> -> memref<1x50000xi32, #tpu.memory_space<hbm>>
      %dma_wait3A_174 = tpu.memref_squeeze %dma_wait3A_173 : memref<1x50000xi32, #tpu.memory_space<hbm>> -> memref<50000xi32, #tpu.memory_space<hbm>>
      %dma_wait3A_175 = arith.constant 0 : i32
      %dma_wait3A_176 = tpu.memref_slice %arg2[%mul3A_32, %dma_wait3A_175] : memref<8x50000xi32, #tpu.memory_space<hbm>> -> memref<1x50000xi32, #tpu.memory_space<hbm>>
      %dma_wait3A_177 = tpu.memref_squeeze %dma_wait3A_176 : memref<1x50000xi32, #tpu.memory_space<hbm>> -> memref<50000xi32, #tpu.memory_space<hbm>>
      tpu.wait_dma2 semaphore(%run_scoped3A : memref<!tpu.dma_semaphore, #tpu.memory_space<semaphore_mem>>) src(%dma_wait3A_177 : memref<50000xi32, #tpu.memory_space<hbm>>) dst(%arg8 : memref<50000xi32, #tpu.memory_space<vmem>>)
      tpu.yield
    }) : () -> ()
    %mul3A_33 = arith.constant 2 : i32
    %mul3A_34 = arith.muli %mul3A_33, %select_n3A_9 : i32
    %add3A_35 = arith.constant 1 : i32
    %add3A_36 = arith.addi %mul3A_34, %add3A_35 : i32
    "tpu.region"() ({
      %run_scoped3A = tpu.sem_alloc : memref<!tpu.dma_semaphore, #tpu.memory_space<semaphore_mem>>
      %dma_start3A_166 = arith.constant 0 : i32
      %dma_start3A_167 = tpu.memref_slice %arg2[%add3A_36, %dma_start3A_166] : memref<8x50000xi32, #tpu.memory_space<hbm>> -> memref<1x50000xi32, #tpu.memory_space<hbm>>
      %dma_start3A_168 = tpu.memref_squeeze %dma_start3A_167 : memref<1x50000xi32, #tpu.memory_space<hbm>> -> memref<50000xi32, #tpu.memory_space<hbm>>
      %dma_start3A_169 = arith.constant 0 : i32
      %dma_start3A_170 = tpu.memref_slice %arg2[%add3A_36, %dma_start3A_169] : memref<8x50000xi32, #tpu.memory_space<hbm>> -> memref<1x50000xi32, #tpu.memory_space<hbm>>
      %dma_start3A_171 = tpu.memref_squeeze %dma_start3A_170 : memref<1x50000xi32, #tpu.memory_space<hbm>> -> memref<50000xi32, #tpu.memory_space<hbm>>
      tpu.enqueue_dma source(%dma_start3A_171 : memref<50000xi32, #tpu.memory_space<hbm>>) target(%arg9 : memref<50000xi32, #tpu.memory_space<vmem>>) target_semaphore(%run_scoped3A : memref<!tpu.dma_semaphore, #tpu.memory_space<semaphore_mem>>)
      %dma_wait3A_172 = arith.constant 0 : i32
      %dma_wait3A_173 = tpu.memref_slice %arg2[%add3A_36, %dma_wait3A_172] : memref<8x50000xi32, #tpu.memory_space<hbm>> -> memref<1x50000xi32, #tpu.memory_space<hbm>>
      %dma_wait3A_174 = tpu.memref_squeeze %dma_wait3A_173 : memref<1x50000xi32, #tpu.memory_space<hbm>> -> memref<50000xi32, #tpu.memory_space<hbm>>
      %dma_wait3A_175 = arith.constant 0 : i32
      %dma_wait3A_176 = tpu.memref_slice %arg2[%add3A_36, %dma_wait3A_175] : memref<8x50000xi32, #tpu.memory_space<hbm>> -> memref<1x50000xi32, #tpu.memory_space<hbm>>
      %dma_wait3A_177 = tpu.memref_squeeze %dma_wait3A_176 : memref<1x50000xi32, #tpu.memory_space<hbm>> -> memref<50000xi32, #tpu.memory_space<hbm>>
      tpu.wait_dma2 semaphore(%run_scoped3A : memref<!tpu.dma_semaphore, #tpu.memory_space<semaphore_mem>>) src(%dma_wait3A_177 : memref<50000xi32, #tpu.memory_space<hbm>>) dst(%arg9 : memref<50000xi32, #tpu.memory_space<vmem>>)
      tpu.yield
    }) : () -> ()
    "tpu.region"() ({
      %run_scoped3A = tpu.sem_alloc : memref<!tpu.dma_semaphore, #tpu.memory_space<semaphore_mem>>
      tpu.enqueue_dma source(%arg6 : memref<16xi32, #tpu.memory_space<hbm>>) target(%arg18 : memref<16xi32, #tpu.memory_space<vmem>>) target_semaphore(%run_scoped3A : memref<!tpu.dma_semaphore, #tpu.memory_space<semaphore_mem>>)
      tpu.wait_dma2 semaphore(%run_scoped3A : memref<!tpu.dma_semaphore, #tpu.memory_space<semaphore_mem>>) src(%arg6 : memref<16xi32, #tpu.memory_space<hbm>>) dst(%arg18 : memref<16xi32, #tpu.memory_space<vmem>>)
      tpu.yield
    }) : () -> ()
    %iota3A = tpu.iota {dimensions = array<i32: 0>} : vector<16xi32>
    %mul3A_37 = arith.constant 512 : i32
    %mul3A_38 = vector.broadcast %mul3A_37 : i32 to vector<16xi32>
    %mul3A_39 = arith.muli %iota3A, %mul3A_38 : vector<16xi32>
    %get3A = arith.constant 0 : index
    %get3A_40 = tpu.vector_load %arg18[%get3A] {strides = array<i32>} : memref<16xi32, #tpu.memory_space<vmem>>, vector<16xi32>,
    %eq3A_41 = vector.broadcast %select_n3A_30 : i32 to vector<16xi32>
    %eq3A_42 = arith.cmpi eq, %iota3A, %eq3A_41 : vector<16xi32>
    %jit3A_43 = arith.constant 0 : i32
    %broadcast_in_dim3A = vector.broadcast %jit3A_43 : i32 to vector<16xi32>
    %select_n3A_44 = arith.select %eq3A_42, %get3A_40, %broadcast_in_dim3A : vector<16xi1>, vector<16xi32>
    %reduce_sum3A = arith.constant true
    %reduce_sum3A_45 = vector.broadcast %reduce_sum3A : i1 to vector<16xi1>
    %reduce_sum3A_46 = tpu.scan <sum>, %select_n3A_44 masked %reduce_sum3A_45 : vector<16xi32>, vector<16xi1> -> vector<16xi32>
    %reduce_sum3A_47 = vector.extract %reduce_sum3A_46[15] : i32 from vector<16xi32>
    %add3A_48 = arith.constant 1 : i32
    %add3A_49 = arith.addi %select_n3A_30, %add3A_48 : i32
    %eq3A_50 = vector.broadcast %add3A_49 : i32 to vector<16xi32>
    %eq3A_51 = arith.cmpi eq, %iota3A, %eq3A_50 : vector<16xi32>
    %jit3A_52 = arith.constant 0 : i32
    %broadcast_in_dim3A_53 = vector.broadcast %jit3A_52 : i32 to vector<16xi32>
    %select_n3A_54 = arith.select %eq3A_51, %get3A_40, %broadcast_in_dim3A_53 : vector<16xi1>, vector<16xi32>
    %reduce_sum3A_55 = arith.constant true
    %reduce_sum3A_56 = vector.broadcast %reduce_sum3A_55 : i1 to vector<16xi1>
    %reduce_sum3A_57 = tpu.scan <sum>, %select_n3A_54 masked %reduce_sum3A_56 : vector<16xi32>, vector<16xi1> -> vector<16xi32>
    %reduce_sum3A_58 = vector.extract %reduce_sum3A_57[15] : i32 from vector<16xi32>
    %mul3A_59 = arith.constant 640 : i32
    %mul3A_60 = arith.muli %select_n3A_30, %mul3A_59 : i32
    "tpu.region"() ({
      %run_scoped3A = tpu.sem_alloc : memref<!tpu.dma_semaphore, #tpu.memory_space<semaphore_mem>>
      %dma_start3A_166 = tpu.memref_slice %arg5[%mul3A_60] : memref<5120xf32, #tpu.memory_space<hbm>> -> memref<640xf32, #tpu.memory_space<hbm>>
      %dma_start3A_167 = tpu.memref_slice %arg5[%mul3A_60] : memref<5120xf32, #tpu.memory_space<hbm>> -> memref<640xf32, #tpu.memory_space<hbm>>
      tpu.enqueue_dma source(%dma_start3A_167 : memref<640xf32, #tpu.memory_space<hbm>>) target(%arg19 : memref<640xf32, #tpu.memory_space<vmem>>) target_semaphore(%run_scoped3A : memref<!tpu.dma_semaphore, #tpu.memory_space<semaphore_mem>>)
      %dma_wait3A_168 = tpu.memref_slice %arg5[%mul3A_60] : memref<5120xf32, #tpu.memory_space<hbm>> -> memref<640xf32, #tpu.memory_space<hbm>>
      %dma_wait3A_169 = tpu.memref_slice %arg5[%mul3A_60] : memref<5120xf32, #tpu.memory_space<hbm>> -> memref<640xf32, #tpu.memory_space<hbm>>
      tpu.wait_dma2 semaphore(%run_scoped3A : memref<!tpu.dma_semaphore, #tpu.memory_space<semaphore_mem>>) src(%dma_wait3A_169 : memref<640xf32, #tpu.memory_space<hbm>>) dst(%arg19 : memref<640xf32, #tpu.memory_space<vmem>>)
      tpu.yield
    }) : () -> ()
    %scan3A = arith.constant 0 : i32
    %scan3A_61 = arith.constant 40 : i32
    %scan3A_62 = arith.addi %scan3A, %scan3A_61 : i32
    %scan3A_63 = arith.constant 1 : i32
    scf.for %scan3A_166 = %scan3A to %scan3A_62 step %scan3A_63  : i32 {
      %mul3A_167 = arith.constant 16 : i32
      %mul3A_168 = arith.muli %scan3A_166, %mul3A_167 : i32
      %add3A_169 = arith.constant 0 : i32
      %add3A_170 = arith.addi %add3A_169, %mul3A_168 : i32
      %get3A_171 = arith.index_cast %add3A_170 : i32 to index
      %get3A_172 = tpu.vector_load %arg19[%get3A_171] {strides = array<i32>} : memref<640xf32, #tpu.memory_space<vmem>>, vector<16xf32>,
      %swap3A = arith.index_cast %add3A_170 : i32 to index
      %swap3A_173 = tpu.vector_load %arg10[%swap3A] {strides = array<i32>} : memref<640xf32, #tpu.memory_space<vmem>>, vector<16xf32>,
      tpu.vector_store %arg10[%swap3A], %get3A_172 {strides = array<i32>} : memref<640xf32, #tpu.memory_space<vmem>>, vector<16xf32>,
      %swap3A_174 = arith.index_cast %add3A_170 : i32 to index
      %swap3A_175 = tpu.vector_load %arg11[%swap3A_174] {strides = array<i32>} : memref<640xf32, #tpu.memory_space<vmem>>, vector<16xf32>,
      tpu.vector_store %arg11[%swap3A_174], %get3A_172 {strides = array<i32>} : memref<640xf32, #tpu.memory_space<vmem>>, vector<16xf32>,
      %swap3A_176 = arith.index_cast %add3A_170 : i32 to index
      %swap3A_177 = tpu.vector_load %arg12[%swap3A_176] {strides = array<i32>} : memref<640xf32, #tpu.memory_space<vmem>>, vector<16xf32>,
      tpu.vector_store %arg12[%swap3A_176], %get3A_172 {strides = array<i32>} : memref<640xf32, #tpu.memory_space<vmem>>, vector<16xf32>,
      %swap3A_178 = arith.index_cast %add3A_170 : i32 to index
      %swap3A_179 = tpu.vector_load %arg13[%swap3A_178] {strides = array<i32>} : memref<640xf32, #tpu.memory_space<vmem>>, vector<16xf32>,
      tpu.vector_store %arg13[%swap3A_178], %get3A_172 {strides = array<i32>} : memref<640xf32, #tpu.memory_space<vmem>>, vector<16xf32>,
    }
    %scan3A_64 = arith.constant 40 : i32
    %and3A_65 = arith.constant -8192 : i32
    %and3A_66 = arith.andi %reduce_sum3A_47, %and3A_65 : i32
    %add3A_67 = arith.constant 8192 : i32
    %add3A_68 = arith.addi %reduce_sum3A_58, %add3A_67 : i32
    %sub3A_69 = arith.constant 1 : i32
    %sub3A_70 = arith.subi %add3A_68, %sub3A_69 : i32
    %and3A_71 = arith.constant -8192 : i32
    %and3A_72 = arith.andi %sub3A_70, %and3A_71 : i32
    %sub3A_73 = arith.subi %and3A_72, %and3A_66 : i32
    %jit3A_74 = arith.constant 4096 : i32
    %div3A_75 = arith.divsi %sub3A_73, %jit3A_74 : i32
    %sign3A_76 = arith.constant 0 : i32
    %sign3A_77 = arith.cmpi sgt, %sub3A_73, %sign3A_76 : i32
    %sign3A_78 = arith.extui %sign3A_77 : i1 to i32
    %sign3A_79 = arith.constant 0 : i32
    %sign3A_80 = arith.cmpi slt, %sub3A_73, %sign3A_79 : i32
    %sign3A_81 = arith.extui %sign3A_80 : i1 to i32
    %sign3A_82 = arith.subi %sign3A_78, %sign3A_81 : i32
    %sign3A_83 = arith.constant 0 : i32
    %sign3A_84 = arith.cmpi sgt, %jit3A_74, %sign3A_83 : i32
    %sign3A_85 = arith.extui %sign3A_84 : i1 to i32
    %sign3A_86 = arith.constant 0 : i32
    %sign3A_87 = arith.cmpi slt, %jit3A_74, %sign3A_86 : i32
    %sign3A_88 = arith.extui %sign3A_87 : i1 to i32
    %sign3A_89 = arith.subi %sign3A_85, %sign3A_88 : i32
    %ne3A_90 = arith.cmpi ne, %sign3A_82, %sign3A_89 : i32
    %rem3A_91 = arith.remsi %sub3A_73, %jit3A_74 : i32
    %ne3A_92 = arith.constant 0 : i32
    %ne3A_93 = arith.cmpi ne, %rem3A_91, %ne3A_92 : i32
    %and3A_94 = arith.andi %ne3A_90, %ne3A_93 : i1
    %sub3A_95 = arith.constant 1 : i32
    %sub3A_96 = arith.subi %div3A_75, %sub3A_95 : i32
    %select_n3A_97 = arith.select %and3A_94, %sub3A_96, %div3A_75 : i32
    %add3A_98 = arith.constant 0 : i32
    %add3A_99 = arith.addi %and3A_66, %add3A_98 : i32
    %min3A = arith.constant 1601536 : i32
    %min3A_100 = arith.minsi %add3A_99, %min3A : i32
    %multiple_of3A = tpu.assume_multiple %min3A_100, 4096 : i32
    %dma_start3A = tpu.memref_slice %arg3[%multiple_of3A] : memref<1605632xi32, #tpu.memory_space<hbm>> -> memref<4096xi32, #tpu.memory_space<hbm>>
    %dma_start3A_101 = tpu.memref_slice %arg3[%multiple_of3A] : memref<1605632xi32, #tpu.memory_space<hbm>> -> memref<4096xi32, #tpu.memory_space<hbm>>
    tpu.enqueue_dma source(%dma_start3A_101 : memref<4096xi32, #tpu.memory_space<hbm>>) target(%arg14 : memref<4096xi32, #tpu.memory_space<vmem>>) target_semaphore(%arg20 : memref<!tpu.dma_semaphore, #tpu.memory_space<semaphore_mem>>)
    %dma_start3A_102 = tpu.memref_slice %arg4[%multiple_of3A] : memref<1605632xf32, #tpu.memory_space<hbm>> -> memref<4096xf32, #tpu.memory_space<hbm>>
    %dma_start3A_103 = tpu.memref_slice %arg4[%multiple_of3A] : memref<1605632xf32, #tpu.memory_space<hbm>> -> memref<4096xf32, #tpu.memory_space<hbm>>
    tpu.enqueue_dma source(%dma_start3A_103 : memref<4096xf32, #tpu.memory_space<hbm>>) target(%arg15 : memref<4096xf32, #tpu.memory_space<vmem>>) target_semaphore(%arg20 : memref<!tpu.dma_semaphore, #tpu.memory_space<semaphore_mem>>)
    %add3A_104 = arith.constant 1 : i32
    %add3A_105 = arith.addi %select_n3A_97, %add3A_104 : i32
    %jit3A_106 = arith.constant 2 : i32
    %div3A_107 = arith.divsi %add3A_105, %jit3A_106 : i32
    %sign3A_108 = arith.constant 0 : i32
    %sign3A_109 = arith.cmpi sgt, %add3A_105, %sign3A_108 : i32
    %sign3A_110 = arith.extui %sign3A_109 : i1 to i32
    %sign3A_111 = arith.constant 0 : i32
    %sign3A_112 = arith.cmpi slt, %add3A_105, %sign3A_111 : i32
    %sign3A_113 = arith.extui %sign3A_112 : i1 to i32
    %sign3A_114 = arith.subi %sign3A_110, %sign3A_113 : i32
    %sign3A_115 = arith.constant 0 : i32
    %sign3A_116 = arith.cmpi sgt, %jit3A_106, %sign3A_115 : i32
    %sign3A_117 = arith.extui %sign3A_116 : i1 to i32
    %sign3A_118 = arith.constant 0 : i32
    %sign3A_119 = arith.cmpi slt, %jit3A_106, %sign3A_118 : i32
    %sign3A_120 = arith.extui %sign3A_119 : i1 to i32
    %sign3A_121 = arith.subi %sign3A_117, %sign3A_120 : i32
    %ne3A_122 = arith.cmpi ne, %sign3A_114, %sign3A_121 : i32
    %rem3A_123 = arith.remsi %add3A_105, %jit3A_106 : i32
    %ne3A_124 = arith.constant 0 : i32
    %ne3A_125 = arith.cmpi ne, %rem3A_123, %ne3A_124 : i32
    %and3A_126 = arith.andi %ne3A_122, %ne3A_125 : i1
    %sub3A_127 = arith.constant 1 : i32
    %sub3A_128 = arith.subi %div3A_107, %sub3A_127 : i32
    %select_n3A_129 = arith.select %and3A_126, %sub3A_128, %div3A_107 : i32
    %while3A = arith.constant 0 : i32
    %while3A_130 = arith.constant 0 : i32
    %while3A_131 = arith.subi %select_n3A_129, %while3A_130 : i32
    %while3A_132 = arith.addi %while3A_130, %while3A_131 : i32
    %while3A_133 = arith.constant 1 : i32
    %while3A_134 = arith.divsi %while3A_131, %while3A_133 : i32
    %while3A_135 = arith.muli %while3A_134, %while3A_133 : i32
    %while3A_136 = arith.addi %while3A_130, %while3A_135 : i32
    %while3A_137 = arith.constant 1 : i32
    scf.for %while3A_166 = %while3A_130 to %while3A_136 step %while3A_137  : i32 {
      %mul3A_167 = arith.constant 2 : i32
      %mul3A_168 = arith.muli %mul3A_167, %while3A_166 : i32
      %mul3A_169 = arith.constant 4096 : i32
      %mul3A_170 = arith.muli %mul3A_168, %mul3A_169 : i32
      %add3A_171 = arith.addi %and3A_66, %mul3A_170 : i32
      %min3A_172 = arith.constant 1601536 : i32
      %min3A_173 = arith.minsi %add3A_171, %min3A_172 : i32
      %multiple_of3A_174 = tpu.assume_multiple %min3A_173, 4096 : i32
      %dma_wait3A_175 = tpu.memref_slice %arg3[%multiple_of3A_174] : memref<1605632xi32, #tpu.memory_space<hbm>> -> memref<4096xi32, #tpu.memory_space<hbm>>
      %dma_wait3A_176 = tpu.memref_slice %arg3[%multiple_of3A_174] : memref<1605632xi32, #tpu.memory_space<hbm>> -> memref<4096xi32, #tpu.memory_space<hbm>>
      tpu.wait_dma2 semaphore(%arg20 : memref<!tpu.dma_semaphore, #tpu.memory_space<semaphore_mem>>) src(%dma_wait3A_176 : memref<4096xi32, #tpu.memory_space<hbm>>) dst(%arg14 : memref<4096xi32, #tpu.memory_space<vmem>>)
      %dma_wait3A_177 = tpu.memref_slice %arg4[%multiple_of3A_174] : memref<1605632xf32, #tpu.memory_space<hbm>> -> memref<4096xf32, #tpu.memory_space<hbm>>
      %dma_wait3A_178 = tpu.memref_slice %arg4[%multiple_of3A_174] : memref<1605632xf32, #tpu.memory_space<hbm>> -> memref<4096xf32, #tpu.memory_space<hbm>>
      tpu.wait_dma2 semaphore(%arg20 : memref<!tpu.dma_semaphore, #tpu.memory_space<semaphore_mem>>) src(%dma_wait3A_178 : memref<4096xf32, #tpu.memory_space<hbm>>) dst(%arg15 : memref<4096xf32, #tpu.memory_space<vmem>>)
      %add3A_179 = arith.constant 1 : i32
      %add3A_180 = arith.addi %mul3A_168, %add3A_179 : i32
      %mul3A_181 = arith.constant 4096 : i32
      %mul3A_182 = arith.muli %add3A_180, %mul3A_181 : i32
      %add3A_183 = arith.addi %and3A_66, %mul3A_182 : i32
      %min3A_184 = arith.constant 1601536 : i32
      %min3A_185 = arith.minsi %add3A_183, %min3A_184 : i32
      %multiple_of3A_186 = tpu.assume_multiple %min3A_185, 4096 : i32
      %dma_start3A_187 = tpu.memref_slice %arg3[%multiple_of3A_186] : memref<1605632xi32, #tpu.memory_space<hbm>> -> memref<4096xi32, #tpu.memory_space<hbm>>
      %dma_start3A_188 = tpu.memref_slice %arg3[%multiple_of3A_186] : memref<1605632xi32, #tpu.memory_space<hbm>> -> memref<4096xi32, #tpu.memory_space<hbm>>
      tpu.enqueue_dma source(%dma_start3A_188 : memref<4096xi32, #tpu.memory_space<hbm>>) target(%arg16 : memref<4096xi32, #tpu.memory_space<vmem>>) target_semaphore(%arg21 : memref<!tpu.dma_semaphore, #tpu.memory_space<semaphore_mem>>)
      %dma_start3A_189 = tpu.memref_slice %arg4[%multiple_of3A_186] : memref<1605632xf32, #tpu.memory_space<hbm>> -> memref<4096xf32, #tpu.memory_space<hbm>>
      %dma_start3A_190 = tpu.memref_slice %arg4[%multiple_of3A_186] : memref<1605632xf32, #tpu.memory_space<hbm>> -> memref<4096xf32, #tpu.memory_space<hbm>>
      tpu.enqueue_dma source(%dma_start3A_190 : memref<4096xf32, #tpu.memory_space<hbm>>) target(%arg17 : memref<4096xf32, #tpu.memory_space<vmem>>) target_semaphore(%arg21 : memref<!tpu.dma_semaphore, #tpu.memory_space<semaphore_mem>>)
      %mul3A_191 = arith.constant 4096 : i32
      %mul3A_192 = arith.muli %mul3A_168, %mul3A_191 : i32
      %add3A_193 = arith.addi %and3A_66, %mul3A_192 : i32
      %and3A_194 = arith.constant -8192 : i32
      %and3A_195 = arith.andi %add3A_193, %and3A_194 : i32
      %ge3A = arith.cmpi sge, %and3A_195, %reduce_sum3A_47 : i32
      %add3A_196 = arith.constant 8192 : i32
      %add3A_197 = arith.addi %and3A_195, %add3A_196 : i32
      %le3A = arith.cmpi sle, %add3A_197, %reduce_sum3A_58 : i32
      %and3A_198 = arith.andi %ge3A, %le3A : i1
      %convert_element_type3A = arith.extui %and3A_198 : i1 to i32
      %cond3A = arith.constant 0 : i32
      %cond3A_199 = arith.cmpi ne, %convert_element_type3A, %cond3A : i32
      scf.if %cond3A_199 {
        %parallel_loop3A = arith.constant 0 : i32
        %parallel_loop3A_248 = arith.constant 4096 : i32
        %parallel_loop3A_249 = arith.constant 16 : i32
        scf.for %parallel_loop3A_250 = %parallel_loop3A to %parallel_loop3A_248 step %parallel_loop3A_249  : i32 {
          %parallel_loop3A_251 = arith.index_cast %parallel_loop3A_250 : i32 to index
          %parallel_loop3A_252 = tpu.vector_load %arg14[%parallel_loop3A_251] {strides = array<i32>} : memref<4096xi32, #tpu.memory_space<vmem>>, vector<16xi32>,
          %parallel_loop3A_253 = arith.constant 65535 : i32
          %parallel_loop3A_254 = vector.broadcast %parallel_loop3A_253 : i32 to vector<16xi32>
          %parallel_loop3A_255 = arith.andi %parallel_loop3A_252, %parallel_loop3A_254 : vector<16xi32>
          %parallel_loop3A_256 = arith.constant 16 : i32
          %parallel_loop3A_257 = vector.broadcast %parallel_loop3A_256 : i32 to vector<16xi32>
          %parallel_loop3A_258 = arith.shrsi %parallel_loop3A_252, %parallel_loop3A_257 : vector<16xi32>
          %parallel_loop3A_259 = arith.index_cast %parallel_loop3A_250 : i32 to index
          %parallel_loop3A_260 = tpu.vector_load %arg15[%parallel_loop3A_259] {strides = array<i32>} : memref<4096xf32, #tpu.memory_space<vmem>>, vector<16xf32>,
          %parallel_loop3A_261 = tpu.vector_load_idx %arg8[%parallel_loop3A_255] : memref<50000xi32, #tpu.memory_space<vmem>>[vector<16xi32>], vector<16xi32>,
          %parallel_loop3A_262 = tpu.vector_load_idx %arg9[%parallel_loop3A_255] : memref<50000xi32, #tpu.memory_space<vmem>>[vector<16xi32>], vector<16xi32>,
          %parallel_loop3A_263 = arith.constant 16 : i32
          %parallel_loop3A_264 = vector.broadcast %parallel_loop3A_263 : i32 to vector<16xi32>
          %parallel_loop3A_265 = arith.shli %parallel_loop3A_261, %parallel_loop3A_264 : vector<16xi32>
          %parallel_loop3A_266 = vector.bitcast %parallel_loop3A_265 : vector<16xi32> to vector<16xf32>
          %parallel_loop3A_267 = arith.constant -65536 : i32
          %parallel_loop3A_268 = vector.broadcast %parallel_loop3A_267 : i32 to vector<16xi32>
          %parallel_loop3A_269 = arith.andi %parallel_loop3A_261, %parallel_loop3A_268 : vector<16xi32>
          %parallel_loop3A_270 = vector.bitcast %parallel_loop3A_269 : vector<16xi32> to vector<16xf32>
          %parallel_loop3A_271 = arith.constant 16 : i32
          %parallel_loop3A_272 = vector.broadcast %parallel_loop3A_271 : i32 to vector<16xi32>
          %parallel_loop3A_273 = arith.shli %parallel_loop3A_262, %parallel_loop3A_272 : vector<16xi32>
          %parallel_loop3A_274 = vector.bitcast %parallel_loop3A_273 : vector<16xi32> to vector<16xf32>
          %parallel_loop3A_275 = arith.constant -65536 : i32
          %parallel_loop3A_276 = vector.broadcast %parallel_loop3A_275 : i32 to vector<16xi32>
          %parallel_loop3A_277 = arith.andi %parallel_loop3A_262, %parallel_loop3A_276 : vector<16xi32>
          %parallel_loop3A_278 = vector.bitcast %parallel_loop3A_277 : vector<16xi32> to vector<16xf32>
          %parallel_loop3A_279 = arith.mulf %parallel_loop3A_266, %parallel_loop3A_260 : vector<16xf32>
          tpu.vector_store_idx %arg10[%parallel_loop3A_258], %parallel_loop3A_279 {add = true} : memref<640xf32, #tpu.memory_space<vmem>>[vector<16xi32>], vector<16xf32>,
          %parallel_loop3A_280 = arith.mulf %parallel_loop3A_270, %parallel_loop3A_260 : vector<16xf32>
          tpu.vector_store_idx %arg11[%parallel_loop3A_258], %parallel_loop3A_280 {add = true} : memref<640xf32, #tpu.memory_space<vmem>>[vector<16xi32>], vector<16xf32>,
          %parallel_loop3A_281 = arith.mulf %parallel_loop3A_274, %parallel_loop3A_260 : vector<16xf32>
          tpu.vector_store_idx %arg12[%parallel_loop3A_258], %parallel_loop3A_281 {add = true} : memref<640xf32, #tpu.memory_space<vmem>>[vector<16xi32>], vector<16xf32>,
          %parallel_loop3A_282 = arith.mulf %parallel_loop3A_278, %parallel_loop3A_260 : vector<16xf32>
          tpu.vector_store_idx %arg13[%parallel_loop3A_258], %parallel_loop3A_282 {add = true} : memref<640xf32, #tpu.memory_space<vmem>>[vector<16xi32>], vector<16xf32>,
        } {sc.loop_unroll_factor = 8 : i64, sc.parallel_access}
      } else {
      }
      %not3A = arith.constant true
      %not3A_200 = arith.xori %and3A_198, %not3A : i1
      %convert_element_type3A_201 = arith.extui %not3A_200 : i1 to i32
      %cond3A_202 = arith.constant 0 : i32
      %cond3A_203 = arith.cmpi ne, %convert_element_type3A_201, %cond3A_202 : i32
      scf.if %cond3A_203 {
        %and3A_248 = arith.constant 8191 : i32
        %and3A_249 = arith.andi %add3A_193, %and3A_248 : i32
        %shift_right_arithmetic3A = arith.constant 4 : i32
        %shift_right_arithmetic3A_250 = arith.shrsi %and3A_249, %shift_right_arithmetic3A : i32
        %add3A_251 = arith.addi %and3A_195, %shift_right_arithmetic3A_250 : i32
        %parallel_loop3A = arith.constant 0 : i32
        %parallel_loop3A_252 = arith.constant 4096 : i32
        %parallel_loop3A_253 = arith.constant 16 : i32
        scf.for %parallel_loop3A_254 = %parallel_loop3A to %parallel_loop3A_252 step %parallel_loop3A_253  : i32 {
          %parallel_loop3A_255 = arith.constant 4 : i32
          %parallel_loop3A_256 = arith.shrsi %parallel_loop3A_254, %parallel_loop3A_255 : i32
          %parallel_loop3A_257 = arith.addi %add3A_251, %parallel_loop3A_256 : i32
          %parallel_loop3A_258 = vector.broadcast %parallel_loop3A_257 : i32 to vector<16xi32>
          %parallel_loop3A_259 = arith.addi %parallel_loop3A_258, %mul3A_39 : vector<16xi32>
          %parallel_loop3A_260 = vector.broadcast %reduce_sum3A_47 : i32 to vector<16xi32>
          %parallel_loop3A_261 = arith.cmpi sge, %parallel_loop3A_259, %parallel_loop3A_260 : vector<16xi32>
          %parallel_loop3A_262 = vector.broadcast %reduce_sum3A_58 : i32 to vector<16xi32>
          %parallel_loop3A_263 = arith.cmpi slt, %parallel_loop3A_259, %parallel_loop3A_262 : vector<16xi32>
          %parallel_loop3A_264 = arith.andi %parallel_loop3A_261, %parallel_loop3A_263 : vector<16xi1>
          %parallel_loop3A_265 = arith.index_cast %parallel_loop3A_254 : i32 to index
          %parallel_loop3A_266 = tpu.vector_load %arg14[%parallel_loop3A_265] {strides = array<i32>} : memref<4096xi32, #tpu.memory_space<vmem>>, vector<16xi32>,
          %parallel_loop3A_267 = arith.constant 65535 : i32
          %parallel_loop3A_268 = vector.broadcast %parallel_loop3A_267 : i32 to vector<16xi32>
          %parallel_loop3A_269 = arith.andi %parallel_loop3A_266, %parallel_loop3A_268 : vector<16xi32>
          %parallel_loop3A_270 = arith.constant 16 : i32
          %parallel_loop3A_271 = vector.broadcast %parallel_loop3A_270 : i32 to vector<16xi32>
          %parallel_loop3A_272 = arith.shrsi %parallel_loop3A_266, %parallel_loop3A_271 : vector<16xi32>
          %parallel_loop3A_273 = arith.index_cast %parallel_loop3A_254 : i32 to index
          %parallel_loop3A_274 = tpu.vector_load %arg15[%parallel_loop3A_273] {strides = array<i32>} : memref<4096xf32, #tpu.memory_space<vmem>>, vector<16xf32>,
          %parallel_loop3A_275 = tpu.vector_load_idx %arg8[%parallel_loop3A_269] : memref<50000xi32, #tpu.memory_space<vmem>>[vector<16xi32>], vector<16xi32>,
          %parallel_loop3A_276 = tpu.vector_load_idx %arg9[%parallel_loop3A_269] : memref<50000xi32, #tpu.memory_space<vmem>>[vector<16xi32>], vector<16xi32>,
          %parallel_loop3A_277 = arith.constant 16 : i32
          %parallel_loop3A_278 = vector.broadcast %parallel_loop3A_277 : i32 to vector<16xi32>
          %parallel_loop3A_279 = arith.shli %parallel_loop3A_275, %parallel_loop3A_278 : vector<16xi32>
          %parallel_loop3A_280 = vector.bitcast %parallel_loop3A_279 : vector<16xi32> to vector<16xf32>
          %parallel_loop3A_281 = arith.constant -65536 : i32
          %parallel_loop3A_282 = vector.broadcast %parallel_loop3A_281 : i32 to vector<16xi32>
          %parallel_loop3A_283 = arith.andi %parallel_loop3A_275, %parallel_loop3A_282 : vector<16xi32>
          %parallel_loop3A_284 = vector.bitcast %parallel_loop3A_283 : vector<16xi32> to vector<16xf32>
          %parallel_loop3A_285 = arith.constant 16 : i32
          %parallel_loop3A_286 = vector.broadcast %parallel_loop3A_285 : i32 to vector<16xi32>
          %parallel_loop3A_287 = arith.shli %parallel_loop3A_276, %parallel_loop3A_286 : vector<16xi32>
          %parallel_loop3A_288 = vector.bitcast %parallel_loop3A_287 : vector<16xi32> to vector<16xf32>
          %parallel_loop3A_289 = arith.constant -65536 : i32
          %parallel_loop3A_290 = vector.broadcast %parallel_loop3A_289 : i32 to vector<16xi32>
          %parallel_loop3A_291 = arith.andi %parallel_loop3A_276, %parallel_loop3A_290 : vector<16xi32>
          %parallel_loop3A_292 = vector.bitcast %parallel_loop3A_291 : vector<16xi32> to vector<16xf32>
          %parallel_loop3A_293 = arith.mulf %parallel_loop3A_280, %parallel_loop3A_274 : vector<16xf32>
          tpu.vector_store_idx %arg10[%parallel_loop3A_272], %parallel_loop3A_293 masked %parallel_loop3A_264 {add = true} : memref<640xf32, #tpu.memory_space<vmem>>[vector<16xi32>], vector<16xf32>, vector<16xi1>
          %parallel_loop3A_294 = arith.mulf %parallel_loop3A_284, %parallel_loop3A_274 : vector<16xf32>
          tpu.vector_store_idx %arg11[%parallel_loop3A_272], %parallel_loop3A_294 masked %parallel_loop3A_264 {add = true} : memref<640xf32, #tpu.memory_space<vmem>>[vector<16xi32>], vector<16xf32>, vector<16xi1>
          %parallel_loop3A_295 = arith.mulf %parallel_loop3A_288, %parallel_loop3A_274 : vector<16xf32>
          tpu.vector_store_idx %arg12[%parallel_loop3A_272], %parallel_loop3A_295 masked %parallel_loop3A_264 {add = true} : memref<640xf32, #tpu.memory_space<vmem>>[vector<16xi32>], vector<16xf32>, vector<16xi1>
          %parallel_loop3A_296 = arith.mulf %parallel_loop3A_292, %parallel_loop3A_274 : vector<16xf32>
          tpu.vector_store_idx %arg13[%parallel_loop3A_272], %parallel_loop3A_296 masked %parallel_loop3A_264 {add = true} : memref<640xf32, #tpu.memory_space<vmem>>[vector<16xi32>], vector<16xf32>, vector<16xi1>
        } {sc.loop_unroll_factor = 8 : i64, sc.parallel_access}
      } else {
      }
      %add3A_204 = arith.constant 1 : i32
      %add3A_205 = arith.addi %mul3A_168, %add3A_204 : i32
      %mul3A_206 = arith.constant 4096 : i32
      %mul3A_207 = arith.muli %add3A_205, %mul3A_206 : i32
      %add3A_208 = arith.addi %and3A_66, %mul3A_207 : i32
      %min3A_209 = arith.constant 1601536 : i32
      %min3A_210 = arith.minsi %add3A_208, %min3A_209 : i32
      %multiple_of3A_211 = tpu.assume_multiple %min3A_210, 4096 : i32
      %dma_wait3A_212 = tpu.memref_slice %arg3[%multiple_of3A_211] : memref<1605632xi32, #tpu.memory_space<hbm>> -> memref<4096xi32, #tpu.memory_space<hbm>>
      %dma_wait3A_213 = tpu.memref_slice %arg3[%multiple_of3A_211] : memref<1605632xi32, #tpu.memory_space<hbm>> -> memref<4096xi32, #tpu.memory_space<hbm>>
      tpu.wait_dma2 semaphore(%arg21 : memref<!tpu.dma_semaphore, #tpu.memory_space<semaphore_mem>>) src(%dma_wait3A_213 : memref<4096xi32, #tpu.memory_space<hbm>>) dst(%arg16 : memref<4096xi32, #tpu.memory_space<vmem>>)
      %dma_wait3A_214 = tpu.memref_slice %arg4[%multiple_of3A_211] : memref<1605632xf32, #tpu.memory_space<hbm>> -> memref<4096xf32, #tpu.memory_space<hbm>>
      %dma_wait3A_215 = tpu.memref_slice %arg4[%multiple_of3A_211] : memref<1605632xf32, #tpu.memory_space<hbm>> -> memref<4096xf32, #tpu.memory_space<hbm>>
      tpu.wait_dma2 semaphore(%arg21 : memref<!tpu.dma_semaphore, #tpu.memory_space<semaphore_mem>>) src(%dma_wait3A_215 : memref<4096xf32, #tpu.memory_space<hbm>>) dst(%arg17 : memref<4096xf32, #tpu.memory_space<vmem>>)
      %add3A_216 = arith.constant 2 : i32
      %add3A_217 = arith.addi %mul3A_168, %add3A_216 : i32
      %mul3A_218 = arith.constant 4096 : i32
      %mul3A_219 = arith.muli %add3A_217, %mul3A_218 : i32
      %add3A_220 = arith.addi %and3A_66, %mul3A_219 : i32
      %min3A_221 = arith.constant 1601536 : i32
      %min3A_222 = arith.minsi %add3A_220, %min3A_221 : i32
      %multiple_of3A_223 = tpu.assume_multiple %min3A_222, 4096 : i32
      %dma_start3A_224 = tpu.memref_slice %arg3[%multiple_of3A_223] : memref<1605632xi32, #tpu.memory_space<hbm>> -> memref<4096xi32, #tpu.memory_space<hbm>>
      %dma_start3A_225 = tpu.memref_slice %arg3[%multiple_of3A_223] : memref<1605632xi32, #tpu.memory_space<hbm>> -> memref<4096xi32, #tpu.memory_space<hbm>>
      tpu.enqueue_dma source(%dma_start3A_225 : memref<4096xi32, #tpu.memory_space<hbm>>) target(%arg14 : memref<4096xi32, #tpu.memory_space<vmem>>) target_semaphore(%arg20 : memref<!tpu.dma_semaphore, #tpu.memory_space<semaphore_mem>>)
      %dma_start3A_226 = tpu.memref_slice %arg4[%multiple_of3A_223] : memref<1605632xf32, #tpu.memory_space<hbm>> -> memref<4096xf32, #tpu.memory_space<hbm>>
      %dma_start3A_227 = tpu.memref_slice %arg4[%multiple_of3A_223] : memref<1605632xf32, #tpu.memory_space<hbm>> -> memref<4096xf32, #tpu.memory_space<hbm>>
      tpu.enqueue_dma source(%dma_start3A_227 : memref<4096xf32, #tpu.memory_space<hbm>>) target(%arg15 : memref<4096xf32, #tpu.memory_space<vmem>>) target_semaphore(%arg20 : memref<!tpu.dma_semaphore, #tpu.memory_space<semaphore_mem>>)
      %add3A_228 = arith.constant 1 : i32
      %add3A_229 = arith.addi %mul3A_168, %add3A_228 : i32
      %mul3A_230 = arith.constant 4096 : i32
      %mul3A_231 = arith.muli %add3A_229, %mul3A_230 : i32
      %add3A_232 = arith.addi %and3A_66, %mul3A_231 : i32
      %and3A_233 = arith.constant -8192 : i32
      %and3A_234 = arith.andi %add3A_232, %and3A_233 : i32
      %ge3A_235 = arith.cmpi sge, %and3A_234, %reduce_sum3A_47 : i32
      %add3A_236 = arith.constant 8192 : i32
      %add3A_237 = arith.addi %and3A_234, %add3A_236 : i32
      %le3A_238 = arith.cmpi sle, %add3A_237, %reduce_sum3A_58 : i32
      %and3A_239 = arith.andi %ge3A_235, %le3A_238 : i1
      %convert_element_type3A_240 = arith.extui %and3A_239 : i1 to i32
      %cond3A_241 = arith.constant 0 : i32
      %cond3A_242 = arith.cmpi ne, %convert_element_type3A_240, %cond3A_241 : i32
      scf.if %cond3A_242 {
        %parallel_loop3A = arith.constant 0 : i32
        %parallel_loop3A_248 = arith.constant 4096 : i32
        %parallel_loop3A_249 = arith.constant 16 : i32
        scf.for %parallel_loop3A_250 = %parallel_loop3A to %parallel_loop3A_248 step %parallel_loop3A_249  : i32 {
          %parallel_loop3A_251 = arith.index_cast %parallel_loop3A_250 : i32 to index
          %parallel_loop3A_252 = tpu.vector_load %arg16[%parallel_loop3A_251] {strides = array<i32>} : memref<4096xi32, #tpu.memory_space<vmem>>, vector<16xi32>,
          %parallel_loop3A_253 = arith.constant 65535 : i32
          %parallel_loop3A_254 = vector.broadcast %parallel_loop3A_253 : i32 to vector<16xi32>
          %parallel_loop3A_255 = arith.andi %parallel_loop3A_252, %parallel_loop3A_254 : vector<16xi32>
          %parallel_loop3A_256 = arith.constant 16 : i32
          %parallel_loop3A_257 = vector.broadcast %parallel_loop3A_256 : i32 to vector<16xi32>
          %parallel_loop3A_258 = arith.shrsi %parallel_loop3A_252, %parallel_loop3A_257 : vector<16xi32>
          %parallel_loop3A_259 = arith.index_cast %parallel_loop3A_250 : i32 to index
          %parallel_loop3A_260 = tpu.vector_load %arg17[%parallel_loop3A_259] {strides = array<i32>} : memref<4096xf32, #tpu.memory_space<vmem>>, vector<16xf32>,
          %parallel_loop3A_261 = tpu.vector_load_idx %arg8[%parallel_loop3A_255] : memref<50000xi32, #tpu.memory_space<vmem>>[vector<16xi32>], vector<16xi32>,
          %parallel_loop3A_262 = tpu.vector_load_idx %arg9[%parallel_loop3A_255] : memref<50000xi32, #tpu.memory_space<vmem>>[vector<16xi32>], vector<16xi32>,
          %parallel_loop3A_263 = arith.constant 16 : i32
          %parallel_loop3A_264 = vector.broadcast %parallel_loop3A_263 : i32 to vector<16xi32>
          %parallel_loop3A_265 = arith.shli %parallel_loop3A_261, %parallel_loop3A_264 : vector<16xi32>
          %parallel_loop3A_266 = vector.bitcast %parallel_loop3A_265 : vector<16xi32> to vector<16xf32>
          %parallel_loop3A_267 = arith.constant -65536 : i32
          %parallel_loop3A_268 = vector.broadcast %parallel_loop3A_267 : i32 to vector<16xi32>
          %parallel_loop3A_269 = arith.andi %parallel_loop3A_261, %parallel_loop3A_268 : vector<16xi32>
          %parallel_loop3A_270 = vector.bitcast %parallel_loop3A_269 : vector<16xi32> to vector<16xf32>
          %parallel_loop3A_271 = arith.constant 16 : i32
          %parallel_loop3A_272 = vector.broadcast %parallel_loop3A_271 : i32 to vector<16xi32>
          %parallel_loop3A_273 = arith.shli %parallel_loop3A_262, %parallel_loop3A_272 : vector<16xi32>
          %parallel_loop3A_274 = vector.bitcast %parallel_loop3A_273 : vector<16xi32> to vector<16xf32>
          %parallel_loop3A_275 = arith.constant -65536 : i32
          %parallel_loop3A_276 = vector.broadcast %parallel_loop3A_275 : i32 to vector<16xi32>
          %parallel_loop3A_277 = arith.andi %parallel_loop3A_262, %parallel_loop3A_276 : vector<16xi32>
          %parallel_loop3A_278 = vector.bitcast %parallel_loop3A_277 : vector<16xi32> to vector<16xf32>
          %parallel_loop3A_279 = arith.mulf %parallel_loop3A_266, %parallel_loop3A_260 : vector<16xf32>
          tpu.vector_store_idx %arg10[%parallel_loop3A_258], %parallel_loop3A_279 {add = true} : memref<640xf32, #tpu.memory_space<vmem>>[vector<16xi32>], vector<16xf32>,
          %parallel_loop3A_280 = arith.mulf %parallel_loop3A_270, %parallel_loop3A_260 : vector<16xf32>
          tpu.vector_store_idx %arg11[%parallel_loop3A_258], %parallel_loop3A_280 {add = true} : memref<640xf32, #tpu.memory_space<vmem>>[vector<16xi32>], vector<16xf32>,
          %parallel_loop3A_281 = arith.mulf %parallel_loop3A_274, %parallel_loop3A_260 : vector<16xf32>
          tpu.vector_store_idx %arg12[%parallel_loop3A_258], %parallel_loop3A_281 {add = true} : memref<640xf32, #tpu.memory_space<vmem>>[vector<16xi32>], vector<16xf32>,
          %parallel_loop3A_282 = arith.mulf %parallel_loop3A_278, %parallel_loop3A_260 : vector<16xf32>
          tpu.vector_store_idx %arg13[%parallel_loop3A_258], %parallel_loop3A_282 {add = true} : memref<640xf32, #tpu.memory_space<vmem>>[vector<16xi32>], vector<16xf32>,
        } {sc.loop_unroll_factor = 8 : i64, sc.parallel_access}
      } else {
      }
      %not3A_243 = arith.constant true
      %not3A_244 = arith.xori %and3A_239, %not3A_243 : i1
      %convert_element_type3A_245 = arith.extui %not3A_244 : i1 to i32
      %cond3A_246 = arith.constant 0 : i32
      %cond3A_247 = arith.cmpi ne, %convert_element_type3A_245, %cond3A_246 : i32
      scf.if %cond3A_247 {
        %and3A_248 = arith.constant 8191 : i32
        %and3A_249 = arith.andi %add3A_232, %and3A_248 : i32
        %shift_right_arithmetic3A = arith.constant 4 : i32
        %shift_right_arithmetic3A_250 = arith.shrsi %and3A_249, %shift_right_arithmetic3A : i32
        %add3A_251 = arith.addi %and3A_234, %shift_right_arithmetic3A_250 : i32
        %parallel_loop3A = arith.constant 0 : i32
        %parallel_loop3A_252 = arith.constant 4096 : i32
        %parallel_loop3A_253 = arith.constant 16 : i32
        scf.for %parallel_loop3A_254 = %parallel_loop3A to %parallel_loop3A_252 step %parallel_loop3A_253  : i32 {
          %parallel_loop3A_255 = arith.constant 4 : i32
          %parallel_loop3A_256 = arith.shrsi %parallel_loop3A_254, %parallel_loop3A_255 : i32
          %parallel_loop3A_257 = arith.addi %add3A_251, %parallel_loop3A_256 : i32
          %parallel_loop3A_258 = vector.broadcast %parallel_loop3A_257 : i32 to vector<16xi32>
          %parallel_loop3A_259 = arith.addi %parallel_loop3A_258, %mul3A_39 : vector<16xi32>
          %parallel_loop3A_260 = vector.broadcast %reduce_sum3A_47 : i32 to vector<16xi32>
          %parallel_loop3A_261 = arith.cmpi sge, %parallel_loop3A_259, %parallel_loop3A_260 : vector<16xi32>
          %parallel_loop3A_262 = vector.broadcast %reduce_sum3A_58 : i32 to vector<16xi32>
          %parallel_loop3A_263 = arith.cmpi slt, %parallel_loop3A_259, %parallel_loop3A_262 : vector<16xi32>
          %parallel_loop3A_264 = arith.andi %parallel_loop3A_261, %parallel_loop3A_263 : vector<16xi1>
          %parallel_loop3A_265 = arith.index_cast %parallel_loop3A_254 : i32 to index
          %parallel_loop3A_266 = tpu.vector_load %arg16[%parallel_loop3A_265] {strides = array<i32>} : memref<4096xi32, #tpu.memory_space<vmem>>, vector<16xi32>,
          %parallel_loop3A_267 = arith.constant 65535 : i32
          %parallel_loop3A_268 = vector.broadcast %parallel_loop3A_267 : i32 to vector<16xi32>
          %parallel_loop3A_269 = arith.andi %parallel_loop3A_266, %parallel_loop3A_268 : vector<16xi32>
          %parallel_loop3A_270 = arith.constant 16 : i32
          %parallel_loop3A_271 = vector.broadcast %parallel_loop3A_270 : i32 to vector<16xi32>
          %parallel_loop3A_272 = arith.shrsi %parallel_loop3A_266, %parallel_loop3A_271 : vector<16xi32>
          %parallel_loop3A_273 = arith.index_cast %parallel_loop3A_254 : i32 to index
          %parallel_loop3A_274 = tpu.vector_load %arg17[%parallel_loop3A_273] {strides = array<i32>} : memref<4096xf32, #tpu.memory_space<vmem>>, vector<16xf32>,
          %parallel_loop3A_275 = tpu.vector_load_idx %arg8[%parallel_loop3A_269] : memref<50000xi32, #tpu.memory_space<vmem>>[vector<16xi32>], vector<16xi32>,
          %parallel_loop3A_276 = tpu.vector_load_idx %arg9[%parallel_loop3A_269] : memref<50000xi32, #tpu.memory_space<vmem>>[vector<16xi32>], vector<16xi32>,
          %parallel_loop3A_277 = arith.constant 16 : i32
          %parallel_loop3A_278 = vector.broadcast %parallel_loop3A_277 : i32 to vector<16xi32>
          %parallel_loop3A_279 = arith.shli %parallel_loop3A_275, %parallel_loop3A_278 : vector<16xi32>
          %parallel_loop3A_280 = vector.bitcast %parallel_loop3A_279 : vector<16xi32> to vector<16xf32>
          %parallel_loop3A_281 = arith.constant -65536 : i32
          %parallel_loop3A_282 = vector.broadcast %parallel_loop3A_281 : i32 to vector<16xi32>
          %parallel_loop3A_283 = arith.andi %parallel_loop3A_275, %parallel_loop3A_282 : vector<16xi32>
          %parallel_loop3A_284 = vector.bitcast %parallel_loop3A_283 : vector<16xi32> to vector<16xf32>
          %parallel_loop3A_285 = arith.constant 16 : i32
          %parallel_loop3A_286 = vector.broadcast %parallel_loop3A_285 : i32 to vector<16xi32>
          %parallel_loop3A_287 = arith.shli %parallel_loop3A_276, %parallel_loop3A_286 : vector<16xi32>
          %parallel_loop3A_288 = vector.bitcast %parallel_loop3A_287 : vector<16xi32> to vector<16xf32>
          %parallel_loop3A_289 = arith.constant -65536 : i32
          %parallel_loop3A_290 = vector.broadcast %parallel_loop3A_289 : i32 to vector<16xi32>
          %parallel_loop3A_291 = arith.andi %parallel_loop3A_276, %parallel_loop3A_290 : vector<16xi32>
          %parallel_loop3A_292 = vector.bitcast %parallel_loop3A_291 : vector<16xi32> to vector<16xf32>
          %parallel_loop3A_293 = arith.mulf %parallel_loop3A_280, %parallel_loop3A_274 : vector<16xf32>
          tpu.vector_store_idx %arg10[%parallel_loop3A_272], %parallel_loop3A_293 masked %parallel_loop3A_264 {add = true} : memref<640xf32, #tpu.memory_space<vmem>>[vector<16xi32>], vector<16xf32>, vector<16xi1>
          %parallel_loop3A_294 = arith.mulf %parallel_loop3A_284, %parallel_loop3A_274 : vector<16xf32>
          tpu.vector_store_idx %arg11[%parallel_loop3A_272], %parallel_loop3A_294 masked %parallel_loop3A_264 {add = true} : memref<640xf32, #tpu.memory_space<vmem>>[vector<16xi32>], vector<16xf32>, vector<16xi1>
          %parallel_loop3A_295 = arith.mulf %parallel_loop3A_288, %parallel_loop3A_274 : vector<16xf32>
          tpu.vector_store_idx %arg12[%parallel_loop3A_272], %parallel_loop3A_295 masked %parallel_loop3A_264 {add = true} : memref<640xf32, #tpu.memory_space<vmem>>[vector<16xi32>], vector<16xf32>, vector<16xi1>
          %parallel_loop3A_296 = arith.mulf %parallel_loop3A_292, %parallel_loop3A_274 : vector<16xf32>
          tpu.vector_store_idx %arg13[%parallel_loop3A_272], %parallel_loop3A_296 masked %parallel_loop3A_264 {add = true} : memref<640xf32, #tpu.memory_space<vmem>>[vector<16xi32>], vector<16xf32>, vector<16xi1>
        } {sc.loop_unroll_factor = 8 : i64, sc.parallel_access}
      } else {
      }
    }
    %while3A_138 = arith.constant 1 : i32
    scf.for %while3A_166 = %while3A_136 to %while3A_132 step %while3A_138  : i32 {
      %mul3A_167 = arith.constant 2 : i32
      %mul3A_168 = arith.muli %mul3A_167, %while3A_166 : i32
      %mul3A_169 = arith.constant 4096 : i32
      %mul3A_170 = arith.muli %mul3A_168, %mul3A_169 : i32
      %add3A_171 = arith.addi %and3A_66, %mul3A_170 : i32
      %min3A_172 = arith.constant 1601536 : i32
      %min3A_173 = arith.minsi %add3A_171, %min3A_172 : i32
      %multiple_of3A_174 = tpu.assume_multiple %min3A_173, 4096 : i32
      %dma_wait3A_175 = tpu.memref_slice %arg3[%multiple_of3A_174] : memref<1605632xi32, #tpu.memory_space<hbm>> -> memref<4096xi32, #tpu.memory_space<hbm>>
      %dma_wait3A_176 = tpu.memref_slice %arg3[%multiple_of3A_174] : memref<1605632xi32, #tpu.memory_space<hbm>> -> memref<4096xi32, #tpu.memory_space<hbm>>
      tpu.wait_dma2 semaphore(%arg20 : memref<!tpu.dma_semaphore, #tpu.memory_space<semaphore_mem>>) src(%dma_wait3A_176 : memref<4096xi32, #tpu.memory_space<hbm>>) dst(%arg14 : memref<4096xi32, #tpu.memory_space<vmem>>)
      %dma_wait3A_177 = tpu.memref_slice %arg4[%multiple_of3A_174] : memref<1605632xf32, #tpu.memory_space<hbm>> -> memref<4096xf32, #tpu.memory_space<hbm>>
      %dma_wait3A_178 = tpu.memref_slice %arg4[%multiple_of3A_174] : memref<1605632xf32, #tpu.memory_space<hbm>> -> memref<4096xf32, #tpu.memory_space<hbm>>
      tpu.wait_dma2 semaphore(%arg20 : memref<!tpu.dma_semaphore, #tpu.memory_space<semaphore_mem>>) src(%dma_wait3A_178 : memref<4096xf32, #tpu.memory_space<hbm>>) dst(%arg15 : memref<4096xf32, #tpu.memory_space<vmem>>)
      %add3A_179 = arith.constant 1 : i32
      %add3A_180 = arith.addi %mul3A_168, %add3A_179 : i32
      %mul3A_181 = arith.constant 4096 : i32
      %mul3A_182 = arith.muli %add3A_180, %mul3A_181 : i32
      %add3A_183 = arith.addi %and3A_66, %mul3A_182 : i32
      %min3A_184 = arith.constant 1601536 : i32
      %min3A_185 = arith.minsi %add3A_183, %min3A_184 : i32
      %multiple_of3A_186 = tpu.assume_multiple %min3A_185, 4096 : i32
      %dma_start3A_187 = tpu.memref_slice %arg3[%multiple_of3A_186] : memref<1605632xi32, #tpu.memory_space<hbm>> -> memref<4096xi32, #tpu.memory_space<hbm>>
      %dma_start3A_188 = tpu.memref_slice %arg3[%multiple_of3A_186] : memref<1605632xi32, #tpu.memory_space<hbm>> -> memref<4096xi32, #tpu.memory_space<hbm>>
      tpu.enqueue_dma source(%dma_start3A_188 : memref<4096xi32, #tpu.memory_space<hbm>>) target(%arg16 : memref<4096xi32, #tpu.memory_space<vmem>>) target_semaphore(%arg21 : memref<!tpu.dma_semaphore, #tpu.memory_space<semaphore_mem>>)
      %dma_start3A_189 = tpu.memref_slice %arg4[%multiple_of3A_186] : memref<1605632xf32, #tpu.memory_space<hbm>> -> memref<4096xf32, #tpu.memory_space<hbm>>
      %dma_start3A_190 = tpu.memref_slice %arg4[%multiple_of3A_186] : memref<1605632xf32, #tpu.memory_space<hbm>> -> memref<4096xf32, #tpu.memory_space<hbm>>
      tpu.enqueue_dma source(%dma_start3A_190 : memref<4096xf32, #tpu.memory_space<hbm>>) target(%arg17 : memref<4096xf32, #tpu.memory_space<vmem>>) target_semaphore(%arg21 : memref<!tpu.dma_semaphore, #tpu.memory_space<semaphore_mem>>)
      %mul3A_191 = arith.constant 4096 : i32
      %mul3A_192 = arith.muli %mul3A_168, %mul3A_191 : i32
      %add3A_193 = arith.addi %and3A_66, %mul3A_192 : i32
      %and3A_194 = arith.constant -8192 : i32
      %and3A_195 = arith.andi %add3A_193, %and3A_194 : i32
      %ge3A = arith.cmpi sge, %and3A_195, %reduce_sum3A_47 : i32
      %add3A_196 = arith.constant 8192 : i32
      %add3A_197 = arith.addi %and3A_195, %add3A_196 : i32
      %le3A = arith.cmpi sle, %add3A_197, %reduce_sum3A_58 : i32
      %and3A_198 = arith.andi %ge3A, %le3A : i1
      %convert_element_type3A = arith.extui %and3A_198 : i1 to i32
      %cond3A = arith.constant 0 : i32
      %cond3A_199 = arith.cmpi ne, %convert_element_type3A, %cond3A : i32
      scf.if %cond3A_199 {
        %parallel_loop3A = arith.constant 0 : i32
        %parallel_loop3A_248 = arith.constant 4096 : i32
        %parallel_loop3A_249 = arith.constant 16 : i32
        scf.for %parallel_loop3A_250 = %parallel_loop3A to %parallel_loop3A_248 step %parallel_loop3A_249  : i32 {
          %parallel_loop3A_251 = arith.index_cast %parallel_loop3A_250 : i32 to index
          %parallel_loop3A_252 = tpu.vector_load %arg14[%parallel_loop3A_251] {strides = array<i32>} : memref<4096xi32, #tpu.memory_space<vmem>>, vector<16xi32>,
          %parallel_loop3A_253 = arith.constant 65535 : i32
          %parallel_loop3A_254 = vector.broadcast %parallel_loop3A_253 : i32 to vector<16xi32>
          %parallel_loop3A_255 = arith.andi %parallel_loop3A_252, %parallel_loop3A_254 : vector<16xi32>
          %parallel_loop3A_256 = arith.constant 16 : i32
          %parallel_loop3A_257 = vector.broadcast %parallel_loop3A_256 : i32 to vector<16xi32>
          %parallel_loop3A_258 = arith.shrsi %parallel_loop3A_252, %parallel_loop3A_257 : vector<16xi32>
          %parallel_loop3A_259 = arith.index_cast %parallel_loop3A_250 : i32 to index
          %parallel_loop3A_260 = tpu.vector_load %arg15[%parallel_loop3A_259] {strides = array<i32>} : memref<4096xf32, #tpu.memory_space<vmem>>, vector<16xf32>,
          %parallel_loop3A_261 = tpu.vector_load_idx %arg8[%parallel_loop3A_255] : memref<50000xi32, #tpu.memory_space<vmem>>[vector<16xi32>], vector<16xi32>,
          %parallel_loop3A_262 = tpu.vector_load_idx %arg9[%parallel_loop3A_255] : memref<50000xi32, #tpu.memory_space<vmem>>[vector<16xi32>], vector<16xi32>,
          %parallel_loop3A_263 = arith.constant 16 : i32
          %parallel_loop3A_264 = vector.broadcast %parallel_loop3A_263 : i32 to vector<16xi32>
          %parallel_loop3A_265 = arith.shli %parallel_loop3A_261, %parallel_loop3A_264 : vector<16xi32>
          %parallel_loop3A_266 = vector.bitcast %parallel_loop3A_265 : vector<16xi32> to vector<16xf32>
          %parallel_loop3A_267 = arith.constant -65536 : i32
          %parallel_loop3A_268 = vector.broadcast %parallel_loop3A_267 : i32 to vector<16xi32>
          %parallel_loop3A_269 = arith.andi %parallel_loop3A_261, %parallel_loop3A_268 : vector<16xi32>
          %parallel_loop3A_270 = vector.bitcast %parallel_loop3A_269 : vector<16xi32> to vector<16xf32>
          %parallel_loop3A_271 = arith.constant 16 : i32
          %parallel_loop3A_272 = vector.broadcast %parallel_loop3A_271 : i32 to vector<16xi32>
          %parallel_loop3A_273 = arith.shli %parallel_loop3A_262, %parallel_loop3A_272 : vector<16xi32>
          %parallel_loop3A_274 = vector.bitcast %parallel_loop3A_273 : vector<16xi32> to vector<16xf32>
          %parallel_loop3A_275 = arith.constant -65536 : i32
          %parallel_loop3A_276 = vector.broadcast %parallel_loop3A_275 : i32 to vector<16xi32>
          %parallel_loop3A_277 = arith.andi %parallel_loop3A_262, %parallel_loop3A_276 : vector<16xi32>
          %parallel_loop3A_278 = vector.bitcast %parallel_loop3A_277 : vector<16xi32> to vector<16xf32>
          %parallel_loop3A_279 = arith.mulf %parallel_loop3A_266, %parallel_loop3A_260 : vector<16xf32>
          tpu.vector_store_idx %arg10[%parallel_loop3A_258], %parallel_loop3A_279 {add = true} : memref<640xf32, #tpu.memory_space<vmem>>[vector<16xi32>], vector<16xf32>,
          %parallel_loop3A_280 = arith.mulf %parallel_loop3A_270, %parallel_loop3A_260 : vector<16xf32>
          tpu.vector_store_idx %arg11[%parallel_loop3A_258], %parallel_loop3A_280 {add = true} : memref<640xf32, #tpu.memory_space<vmem>>[vector<16xi32>], vector<16xf32>,
          %parallel_loop3A_281 = arith.mulf %parallel_loop3A_274, %parallel_loop3A_260 : vector<16xf32>
          tpu.vector_store_idx %arg12[%parallel_loop3A_258], %parallel_loop3A_281 {add = true} : memref<640xf32, #tpu.memory_space<vmem>>[vector<16xi32>], vector<16xf32>,
          %parallel_loop3A_282 = arith.mulf %parallel_loop3A_278, %parallel_loop3A_260 : vector<16xf32>
          tpu.vector_store_idx %arg13[%parallel_loop3A_258], %parallel_loop3A_282 {add = true} : memref<640xf32, #tpu.memory_space<vmem>>[vector<16xi32>], vector<16xf32>,
        } {sc.loop_unroll_factor = 8 : i64, sc.parallel_access}
      } else {
      }
      %not3A = arith.constant true
      %not3A_200 = arith.xori %and3A_198, %not3A : i1
      %convert_element_type3A_201 = arith.extui %not3A_200 : i1 to i32
      %cond3A_202 = arith.constant 0 : i32
      %cond3A_203 = arith.cmpi ne, %convert_element_type3A_201, %cond3A_202 : i32
      scf.if %cond3A_203 {
        %and3A_248 = arith.constant 8191 : i32
        %and3A_249 = arith.andi %add3A_193, %and3A_248 : i32
        %shift_right_arithmetic3A = arith.constant 4 : i32
        %shift_right_arithmetic3A_250 = arith.shrsi %and3A_249, %shift_right_arithmetic3A : i32
        %add3A_251 = arith.addi %and3A_195, %shift_right_arithmetic3A_250 : i32
        %parallel_loop3A = arith.constant 0 : i32
        %parallel_loop3A_252 = arith.constant 4096 : i32
        %parallel_loop3A_253 = arith.constant 16 : i32
        scf.for %parallel_loop3A_254 = %parallel_loop3A to %parallel_loop3A_252 step %parallel_loop3A_253  : i32 {
          %parallel_loop3A_255 = arith.constant 4 : i32
          %parallel_loop3A_256 = arith.shrsi %parallel_loop3A_254, %parallel_loop3A_255 : i32
          %parallel_loop3A_257 = arith.addi %add3A_251, %parallel_loop3A_256 : i32
          %parallel_loop3A_258 = vector.broadcast %parallel_loop3A_257 : i32 to vector<16xi32>
          %parallel_loop3A_259 = arith.addi %parallel_loop3A_258, %mul3A_39 : vector<16xi32>
          %parallel_loop3A_260 = vector.broadcast %reduce_sum3A_47 : i32 to vector<16xi32>
          %parallel_loop3A_261 = arith.cmpi sge, %parallel_loop3A_259, %parallel_loop3A_260 : vector<16xi32>
          %parallel_loop3A_262 = vector.broadcast %reduce_sum3A_58 : i32 to vector<16xi32>
          %parallel_loop3A_263 = arith.cmpi slt, %parallel_loop3A_259, %parallel_loop3A_262 : vector<16xi32>
          %parallel_loop3A_264 = arith.andi %parallel_loop3A_261, %parallel_loop3A_263 : vector<16xi1>
          %parallel_loop3A_265 = arith.index_cast %parallel_loop3A_254 : i32 to index
          %parallel_loop3A_266 = tpu.vector_load %arg14[%parallel_loop3A_265] {strides = array<i32>} : memref<4096xi32, #tpu.memory_space<vmem>>, vector<16xi32>,
          %parallel_loop3A_267 = arith.constant 65535 : i32
          %parallel_loop3A_268 = vector.broadcast %parallel_loop3A_267 : i32 to vector<16xi32>
          %parallel_loop3A_269 = arith.andi %parallel_loop3A_266, %parallel_loop3A_268 : vector<16xi32>
          %parallel_loop3A_270 = arith.constant 16 : i32
          %parallel_loop3A_271 = vector.broadcast %parallel_loop3A_270 : i32 to vector<16xi32>
          %parallel_loop3A_272 = arith.shrsi %parallel_loop3A_266, %parallel_loop3A_271 : vector<16xi32>
          %parallel_loop3A_273 = arith.index_cast %parallel_loop3A_254 : i32 to index
          %parallel_loop3A_274 = tpu.vector_load %arg15[%parallel_loop3A_273] {strides = array<i32>} : memref<4096xf32, #tpu.memory_space<vmem>>, vector<16xf32>,
          %parallel_loop3A_275 = tpu.vector_load_idx %arg8[%parallel_loop3A_269] : memref<50000xi32, #tpu.memory_space<vmem>>[vector<16xi32>], vector<16xi32>,
          %parallel_loop3A_276 = tpu.vector_load_idx %arg9[%parallel_loop3A_269] : memref<50000xi32, #tpu.memory_space<vmem>>[vector<16xi32>], vector<16xi32>,
          %parallel_loop3A_277 = arith.constant 16 : i32
          %parallel_loop3A_278 = vector.broadcast %parallel_loop3A_277 : i32 to vector<16xi32>
          %parallel_loop3A_279 = arith.shli %parallel_loop3A_275, %parallel_loop3A_278 : vector<16xi32>
          %parallel_loop3A_280 = vector.bitcast %parallel_loop3A_279 : vector<16xi32> to vector<16xf32>
          %parallel_loop3A_281 = arith.constant -65536 : i32
          %parallel_loop3A_282 = vector.broadcast %parallel_loop3A_281 : i32 to vector<16xi32>
          %parallel_loop3A_283 = arith.andi %parallel_loop3A_275, %parallel_loop3A_282 : vector<16xi32>
          %parallel_loop3A_284 = vector.bitcast %parallel_loop3A_283 : vector<16xi32> to vector<16xf32>
          %parallel_loop3A_285 = arith.constant 16 : i32
          %parallel_loop3A_286 = vector.broadcast %parallel_loop3A_285 : i32 to vector<16xi32>
          %parallel_loop3A_287 = arith.shli %parallel_loop3A_276, %parallel_loop3A_286 : vector<16xi32>
          %parallel_loop3A_288 = vector.bitcast %parallel_loop3A_287 : vector<16xi32> to vector<16xf32>
          %parallel_loop3A_289 = arith.constant -65536 : i32
          %parallel_loop3A_290 = vector.broadcast %parallel_loop3A_289 : i32 to vector<16xi32>
          %parallel_loop3A_291 = arith.andi %parallel_loop3A_276, %parallel_loop3A_290 : vector<16xi32>
          %parallel_loop3A_292 = vector.bitcast %parallel_loop3A_291 : vector<16xi32> to vector<16xf32>
          %parallel_loop3A_293 = arith.mulf %parallel_loop3A_280, %parallel_loop3A_274 : vector<16xf32>
          tpu.vector_store_idx %arg10[%parallel_loop3A_272], %parallel_loop3A_293 masked %parallel_loop3A_264 {add = true} : memref<640xf32, #tpu.memory_space<vmem>>[vector<16xi32>], vector<16xf32>, vector<16xi1>
          %parallel_loop3A_294 = arith.mulf %parallel_loop3A_284, %parallel_loop3A_274 : vector<16xf32>
          tpu.vector_store_idx %arg11[%parallel_loop3A_272], %parallel_loop3A_294 masked %parallel_loop3A_264 {add = true} : memref<640xf32, #tpu.memory_space<vmem>>[vector<16xi32>], vector<16xf32>, vector<16xi1>
          %parallel_loop3A_295 = arith.mulf %parallel_loop3A_288, %parallel_loop3A_274 : vector<16xf32>
          tpu.vector_store_idx %arg12[%parallel_loop3A_272], %parallel_loop3A_295 masked %parallel_loop3A_264 {add = true} : memref<640xf32, #tpu.memory_space<vmem>>[vector<16xi32>], vector<16xf32>, vector<16xi1>
          %parallel_loop3A_296 = arith.mulf %parallel_loop3A_292, %parallel_loop3A_274 : vector<16xf32>
          tpu.vector_store_idx %arg13[%parallel_loop3A_272], %parallel_loop3A_296 masked %parallel_loop3A_264 {add = true} : memref<640xf32, #tpu.memory_space<vmem>>[vector<16xi32>], vector<16xf32>, vector<16xi1>
        } {sc.loop_unroll_factor = 8 : i64, sc.parallel_access}
      } else {
      }
      %add3A_204 = arith.constant 1 : i32
      %add3A_205 = arith.addi %mul3A_168, %add3A_204 : i32
      %mul3A_206 = arith.constant 4096 : i32
      %mul3A_207 = arith.muli %add3A_205, %mul3A_206 : i32
      %add3A_208 = arith.addi %and3A_66, %mul3A_207 : i32
      %min3A_209 = arith.constant 1601536 : i32
      %min3A_210 = arith.minsi %add3A_208, %min3A_209 : i32
      %multiple_of3A_211 = tpu.assume_multiple %min3A_210, 4096 : i32
      %dma_wait3A_212 = tpu.memref_slice %arg3[%multiple_of3A_211] : memref<1605632xi32, #tpu.memory_space<hbm>> -> memref<4096xi32, #tpu.memory_space<hbm>>
      %dma_wait3A_213 = tpu.memref_slice %arg3[%multiple_of3A_211] : memref<1605632xi32, #tpu.memory_space<hbm>> -> memref<4096xi32, #tpu.memory_space<hbm>>
      tpu.wait_dma2 semaphore(%arg21 : memref<!tpu.dma_semaphore, #tpu.memory_space<semaphore_mem>>) src(%dma_wait3A_213 : memref<4096xi32, #tpu.memory_space<hbm>>) dst(%arg16 : memref<4096xi32, #tpu.memory_space<vmem>>)
      %dma_wait3A_214 = tpu.memref_slice %arg4[%multiple_of3A_211] : memref<1605632xf32, #tpu.memory_space<hbm>> -> memref<4096xf32, #tpu.memory_space<hbm>>
      %dma_wait3A_215 = tpu.memref_slice %arg4[%multiple_of3A_211] : memref<1605632xf32, #tpu.memory_space<hbm>> -> memref<4096xf32, #tpu.memory_space<hbm>>
      tpu.wait_dma2 semaphore(%arg21 : memref<!tpu.dma_semaphore, #tpu.memory_space<semaphore_mem>>) src(%dma_wait3A_215 : memref<4096xf32, #tpu.memory_space<hbm>>) dst(%arg17 : memref<4096xf32, #tpu.memory_space<vmem>>)
      %add3A_216 = arith.constant 2 : i32
      %add3A_217 = arith.addi %mul3A_168, %add3A_216 : i32
      %mul3A_218 = arith.constant 4096 : i32
      %mul3A_219 = arith.muli %add3A_217, %mul3A_218 : i32
      %add3A_220 = arith.addi %and3A_66, %mul3A_219 : i32
      %min3A_221 = arith.constant 1601536 : i32
      %min3A_222 = arith.minsi %add3A_220, %min3A_221 : i32
      %multiple_of3A_223 = tpu.assume_multiple %min3A_222, 4096 : i32
      %dma_start3A_224 = tpu.memref_slice %arg3[%multiple_of3A_223] : memref<1605632xi32, #tpu.memory_space<hbm>> -> memref<4096xi32, #tpu.memory_space<hbm>>
      %dma_start3A_225 = tpu.memref_slice %arg3[%multiple_of3A_223] : memref<1605632xi32, #tpu.memory_space<hbm>> -> memref<4096xi32, #tpu.memory_space<hbm>>
      tpu.enqueue_dma source(%dma_start3A_225 : memref<4096xi32, #tpu.memory_space<hbm>>) target(%arg14 : memref<4096xi32, #tpu.memory_space<vmem>>) target_semaphore(%arg20 : memref<!tpu.dma_semaphore, #tpu.memory_space<semaphore_mem>>)
      %dma_start3A_226 = tpu.memref_slice %arg4[%multiple_of3A_223] : memref<1605632xf32, #tpu.memory_space<hbm>> -> memref<4096xf32, #tpu.memory_space<hbm>>
      %dma_start3A_227 = tpu.memref_slice %arg4[%multiple_of3A_223] : memref<1605632xf32, #tpu.memory_space<hbm>> -> memref<4096xf32, #tpu.memory_space<hbm>>
      tpu.enqueue_dma source(%dma_start3A_227 : memref<4096xf32, #tpu.memory_space<hbm>>) target(%arg15 : memref<4096xf32, #tpu.memory_space<vmem>>) target_semaphore(%arg20 : memref<!tpu.dma_semaphore, #tpu.memory_space<semaphore_mem>>)
      %add3A_228 = arith.constant 1 : i32
      %add3A_229 = arith.addi %mul3A_168, %add3A_228 : i32
      %mul3A_230 = arith.constant 4096 : i32
      %mul3A_231 = arith.muli %add3A_229, %mul3A_230 : i32
      %add3A_232 = arith.addi %and3A_66, %mul3A_231 : i32
      %and3A_233 = arith.constant -8192 : i32
      %and3A_234 = arith.andi %add3A_232, %and3A_233 : i32
      %ge3A_235 = arith.cmpi sge, %and3A_234, %reduce_sum3A_47 : i32
      %add3A_236 = arith.constant 8192 : i32
      %add3A_237 = arith.addi %and3A_234, %add3A_236 : i32
      %le3A_238 = arith.cmpi sle, %add3A_237, %reduce_sum3A_58 : i32
      %and3A_239 = arith.andi %ge3A_235, %le3A_238 : i1
      %convert_element_type3A_240 = arith.extui %and3A_239 : i1 to i32
      %cond3A_241 = arith.constant 0 : i32
      %cond3A_242 = arith.cmpi ne, %convert_element_type3A_240, %cond3A_241 : i32
      scf.if %cond3A_242 {
        %parallel_loop3A = arith.constant 0 : i32
        %parallel_loop3A_248 = arith.constant 4096 : i32
        %parallel_loop3A_249 = arith.constant 16 : i32
        scf.for %parallel_loop3A_250 = %parallel_loop3A to %parallel_loop3A_248 step %parallel_loop3A_249  : i32 {
          %parallel_loop3A_251 = arith.index_cast %parallel_loop3A_250 : i32 to index
          %parallel_loop3A_252 = tpu.vector_load %arg16[%parallel_loop3A_251] {strides = array<i32>} : memref<4096xi32, #tpu.memory_space<vmem>>, vector<16xi32>,
          %parallel_loop3A_253 = arith.constant 65535 : i32
          %parallel_loop3A_254 = vector.broadcast %parallel_loop3A_253 : i32 to vector<16xi32>
          %parallel_loop3A_255 = arith.andi %parallel_loop3A_252, %parallel_loop3A_254 : vector<16xi32>
          %parallel_loop3A_256 = arith.constant 16 : i32
          %parallel_loop3A_257 = vector.broadcast %parallel_loop3A_256 : i32 to vector<16xi32>
          %parallel_loop3A_258 = arith.shrsi %parallel_loop3A_252, %parallel_loop3A_257 : vector<16xi32>
          %parallel_loop3A_259 = arith.index_cast %parallel_loop3A_250 : i32 to index
          %parallel_loop3A_260 = tpu.vector_load %arg17[%parallel_loop3A_259] {strides = array<i32>} : memref<4096xf32, #tpu.memory_space<vmem>>, vector<16xf32>,
          %parallel_loop3A_261 = tpu.vector_load_idx %arg8[%parallel_loop3A_255] : memref<50000xi32, #tpu.memory_space<vmem>>[vector<16xi32>], vector<16xi32>,
          %parallel_loop3A_262 = tpu.vector_load_idx %arg9[%parallel_loop3A_255] : memref<50000xi32, #tpu.memory_space<vmem>>[vector<16xi32>], vector<16xi32>,
          %parallel_loop3A_263 = arith.constant 16 : i32
          %parallel_loop3A_264 = vector.broadcast %parallel_loop3A_263 : i32 to vector<16xi32>
          %parallel_loop3A_265 = arith.shli %parallel_loop3A_261, %parallel_loop3A_264 : vector<16xi32>
          %parallel_loop3A_266 = vector.bitcast %parallel_loop3A_265 : vector<16xi32> to vector<16xf32>
          %parallel_loop3A_267 = arith.constant -65536 : i32
          %parallel_loop3A_268 = vector.broadcast %parallel_loop3A_267 : i32 to vector<16xi32>
          %parallel_loop3A_269 = arith.andi %parallel_loop3A_261, %parallel_loop3A_268 : vector<16xi32>
          %parallel_loop3A_270 = vector.bitcast %parallel_loop3A_269 : vector<16xi32> to vector<16xf32>
          %parallel_loop3A_271 = arith.constant 16 : i32
          %parallel_loop3A_272 = vector.broadcast %parallel_loop3A_271 : i32 to vector<16xi32>
          %parallel_loop3A_273 = arith.shli %parallel_loop3A_262, %parallel_loop3A_272 : vector<16xi32>
          %parallel_loop3A_274 = vector.bitcast %parallel_loop3A_273 : vector<16xi32> to vector<16xf32>
          %parallel_loop3A_275 = arith.constant -65536 : i32
          %parallel_loop3A_276 = vector.broadcast %parallel_loop3A_275 : i32 to vector<16xi32>
          %parallel_loop3A_277 = arith.andi %parallel_loop3A_262, %parallel_loop3A_276 : vector<16xi32>
          %parallel_loop3A_278 = vector.bitcast %parallel_loop3A_277 : vector<16xi32> to vector<16xf32>
          %parallel_loop3A_279 = arith.mulf %parallel_loop3A_266, %parallel_loop3A_260 : vector<16xf32>
          tpu.vector_store_idx %arg10[%parallel_loop3A_258], %parallel_loop3A_279 {add = true} : memref<640xf32, #tpu.memory_space<vmem>>[vector<16xi32>], vector<16xf32>,
          %parallel_loop3A_280 = arith.mulf %parallel_loop3A_270, %parallel_loop3A_260 : vector<16xf32>
          tpu.vector_store_idx %arg11[%parallel_loop3A_258], %parallel_loop3A_280 {add = true} : memref<640xf32, #tpu.memory_space<vmem>>[vector<16xi32>], vector<16xf32>,
          %parallel_loop3A_281 = arith.mulf %parallel_loop3A_274, %parallel_loop3A_260 : vector<16xf32>
          tpu.vector_store_idx %arg12[%parallel_loop3A_258], %parallel_loop3A_281 {add = true} : memref<640xf32, #tpu.memory_space<vmem>>[vector<16xi32>], vector<16xf32>,
          %parallel_loop3A_282 = arith.mulf %parallel_loop3A_278, %parallel_loop3A_260 : vector<16xf32>
          tpu.vector_store_idx %arg13[%parallel_loop3A_258], %parallel_loop3A_282 {add = true} : memref<640xf32, #tpu.memory_space<vmem>>[vector<16xi32>], vector<16xf32>,
        } {sc.loop_unroll_factor = 8 : i64, sc.parallel_access}
      } else {
      }
      %not3A_243 = arith.constant true
      %not3A_244 = arith.xori %and3A_239, %not3A_243 : i1
      %convert_element_type3A_245 = arith.extui %not3A_244 : i1 to i32
      %cond3A_246 = arith.constant 0 : i32
      %cond3A_247 = arith.cmpi ne, %convert_element_type3A_245, %cond3A_246 : i32
      scf.if %cond3A_247 {
        %and3A_248 = arith.constant 8191 : i32
        %and3A_249 = arith.andi %add3A_232, %and3A_248 : i32
        %shift_right_arithmetic3A = arith.constant 4 : i32
        %shift_right_arithmetic3A_250 = arith.shrsi %and3A_249, %shift_right_arithmetic3A : i32
        %add3A_251 = arith.addi %and3A_234, %shift_right_arithmetic3A_250 : i32
        %parallel_loop3A = arith.constant 0 : i32
        %parallel_loop3A_252 = arith.constant 4096 : i32
        %parallel_loop3A_253 = arith.constant 16 : i32
        scf.for %parallel_loop3A_254 = %parallel_loop3A to %parallel_loop3A_252 step %parallel_loop3A_253  : i32 {
          %parallel_loop3A_255 = arith.constant 4 : i32
          %parallel_loop3A_256 = arith.shrsi %parallel_loop3A_254, %parallel_loop3A_255 : i32
          %parallel_loop3A_257 = arith.addi %add3A_251, %parallel_loop3A_256 : i32
          %parallel_loop3A_258 = vector.broadcast %parallel_loop3A_257 : i32 to vector<16xi32>
          %parallel_loop3A_259 = arith.addi %parallel_loop3A_258, %mul3A_39 : vector<16xi32>
          %parallel_loop3A_260 = vector.broadcast %reduce_sum3A_47 : i32 to vector<16xi32>
          %parallel_loop3A_261 = arith.cmpi sge, %parallel_loop3A_259, %parallel_loop3A_260 : vector<16xi32>
          %parallel_loop3A_262 = vector.broadcast %reduce_sum3A_58 : i32 to vector<16xi32>
          %parallel_loop3A_263 = arith.cmpi slt, %parallel_loop3A_259, %parallel_loop3A_262 : vector<16xi32>
          %parallel_loop3A_264 = arith.andi %parallel_loop3A_261, %parallel_loop3A_263 : vector<16xi1>
          %parallel_loop3A_265 = arith.index_cast %parallel_loop3A_254 : i32 to index
          %parallel_loop3A_266 = tpu.vector_load %arg16[%parallel_loop3A_265] {strides = array<i32>} : memref<4096xi32, #tpu.memory_space<vmem>>, vector<16xi32>,
          %parallel_loop3A_267 = arith.constant 65535 : i32
          %parallel_loop3A_268 = vector.broadcast %parallel_loop3A_267 : i32 to vector<16xi32>
          %parallel_loop3A_269 = arith.andi %parallel_loop3A_266, %parallel_loop3A_268 : vector<16xi32>
          %parallel_loop3A_270 = arith.constant 16 : i32
          %parallel_loop3A_271 = vector.broadcast %parallel_loop3A_270 : i32 to vector<16xi32>
          %parallel_loop3A_272 = arith.shrsi %parallel_loop3A_266, %parallel_loop3A_271 : vector<16xi32>
          %parallel_loop3A_273 = arith.index_cast %parallel_loop3A_254 : i32 to index
          %parallel_loop3A_274 = tpu.vector_load %arg17[%parallel_loop3A_273] {strides = array<i32>} : memref<4096xf32, #tpu.memory_space<vmem>>, vector<16xf32>,
          %parallel_loop3A_275 = tpu.vector_load_idx %arg8[%parallel_loop3A_269] : memref<50000xi32, #tpu.memory_space<vmem>>[vector<16xi32>], vector<16xi32>,
          %parallel_loop3A_276 = tpu.vector_load_idx %arg9[%parallel_loop3A_269] : memref<50000xi32, #tpu.memory_space<vmem>>[vector<16xi32>], vector<16xi32>,
          %parallel_loop3A_277 = arith.constant 16 : i32
          %parallel_loop3A_278 = vector.broadcast %parallel_loop3A_277 : i32 to vector<16xi32>
          %parallel_loop3A_279 = arith.shli %parallel_loop3A_275, %parallel_loop3A_278 : vector<16xi32>
          %parallel_loop3A_280 = vector.bitcast %parallel_loop3A_279 : vector<16xi32> to vector<16xf32>
          %parallel_loop3A_281 = arith.constant -65536 : i32
          %parallel_loop3A_282 = vector.broadcast %parallel_loop3A_281 : i32 to vector<16xi32>
          %parallel_loop3A_283 = arith.andi %parallel_loop3A_275, %parallel_loop3A_282 : vector<16xi32>
          %parallel_loop3A_284 = vector.bitcast %parallel_loop3A_283 : vector<16xi32> to vector<16xf32>
          %parallel_loop3A_285 = arith.constant 16 : i32
          %parallel_loop3A_286 = vector.broadcast %parallel_loop3A_285 : i32 to vector<16xi32>
          %parallel_loop3A_287 = arith.shli %parallel_loop3A_276, %parallel_loop3A_286 : vector<16xi32>
          %parallel_loop3A_288 = vector.bitcast %parallel_loop3A_287 : vector<16xi32> to vector<16xf32>
          %parallel_loop3A_289 = arith.constant -65536 : i32
          %parallel_loop3A_290 = vector.broadcast %parallel_loop3A_289 : i32 to vector<16xi32>
          %parallel_loop3A_291 = arith.andi %parallel_loop3A_276, %parallel_loop3A_290 : vector<16xi32>
          %parallel_loop3A_292 = vector.bitcast %parallel_loop3A_291 : vector<16xi32> to vector<16xf32>
          %parallel_loop3A_293 = arith.mulf %parallel_loop3A_280, %parallel_loop3A_274 : vector<16xf32>
          tpu.vector_store_idx %arg10[%parallel_loop3A_272], %parallel_loop3A_293 masked %parallel_loop3A_264 {add = true} : memref<640xf32, #tpu.memory_space<vmem>>[vector<16xi32>], vector<16xf32>, vector<16xi1>
          %parallel_loop3A_294 = arith.mulf %parallel_loop3A_284, %parallel_loop3A_274 : vector<16xf32>
          tpu.vector_store_idx %arg11[%parallel_loop3A_272], %parallel_loop3A_294 masked %parallel_loop3A_264 {add = true} : memref<640xf32, #tpu.memory_space<vmem>>[vector<16xi32>], vector<16xf32>, vector<16xi1>
          %parallel_loop3A_295 = arith.mulf %parallel_loop3A_288, %parallel_loop3A_274 : vector<16xf32>
          tpu.vector_store_idx %arg12[%parallel_loop3A_272], %parallel_loop3A_295 masked %parallel_loop3A_264 {add = true} : memref<640xf32, #tpu.memory_space<vmem>>[vector<16xi32>], vector<16xf32>, vector<16xi1>
          %parallel_loop3A_296 = arith.mulf %parallel_loop3A_292, %parallel_loop3A_274 : vector<16xf32>
          tpu.vector_store_idx %arg13[%parallel_loop3A_272], %parallel_loop3A_296 masked %parallel_loop3A_264 {add = true} : memref<640xf32, #tpu.memory_space<vmem>>[vector<16xi32>], vector<16xf32>, vector<16xi1>
        } {sc.loop_unroll_factor = 8 : i64, sc.parallel_access}
      } else {
      }
    }
    %mul3A_139 = arith.constant 2 : i32
    %mul3A_140 = arith.muli %mul3A_139, %select_n3A_129 : i32
    %mul3A_141 = arith.constant 4096 : i32
    %mul3A_142 = arith.muli %mul3A_140, %mul3A_141 : i32
    %add3A_143 = arith.addi %and3A_66, %mul3A_142 : i32
    %min3A_144 = arith.constant 1601536 : i32
    %min3A_145 = arith.minsi %add3A_143, %min3A_144 : i32
    %multiple_of3A_146 = tpu.assume_multiple %min3A_145, 4096 : i32
    %dma_wait3A = tpu.memref_slice %arg3[%multiple_of3A_146] : memref<1605632xi32, #tpu.memory_space<hbm>> -> memref<4096xi32, #tpu.memory_space<hbm>>
    %dma_wait3A_147 = tpu.memref_slice %arg3[%multiple_of3A_146] : memref<1605632xi32, #tpu.memory_space<hbm>> -> memref<4096xi32, #tpu.memory_space<hbm>>
    tpu.wait_dma2 semaphore(%arg20 : memref<!tpu.dma_semaphore, #tpu.memory_space<semaphore_mem>>) src(%dma_wait3A_147 : memref<4096xi32, #tpu.memory_space<hbm>>) dst(%arg14 : memref<4096xi32, #tpu.memory_space<vmem>>)
    %dma_wait3A_148 = tpu.memref_slice %arg4[%multiple_of3A_146] : memref<1605632xf32, #tpu.memory_space<hbm>> -> memref<4096xf32, #tpu.memory_space<hbm>>
    %dma_wait3A_149 = tpu.memref_slice %arg4[%multiple_of3A_146] : memref<1605632xf32, #tpu.memory_space<hbm>> -> memref<4096xf32, #tpu.memory_space<hbm>>
    tpu.wait_dma2 semaphore(%arg20 : memref<!tpu.dma_semaphore, #tpu.memory_space<semaphore_mem>>) src(%dma_wait3A_149 : memref<4096xf32, #tpu.memory_space<hbm>>) dst(%arg15 : memref<4096xf32, #tpu.memory_space<vmem>>)
    %mul3A_150 = arith.constant 4 : i32
    %mul3A_151 = arith.muli %mul3A_150, %select_n3A_9 : i32
    %add3A_152 = arith.constant 0 : i32
    %add3A_153 = arith.addi %mul3A_151, %add3A_152 : i32
    "tpu.region"() ({
      %run_scoped3A = tpu.sem_alloc : memref<!tpu.dma_semaphore, #tpu.memory_space<semaphore_mem>>
      %dma_start3A_166 = tpu.memref_slice %arg7[%add3A_153, %mul3A_60] : memref<16x5120xf32, #tpu.memory_space<hbm>> -> memref<1x640xf32, #tpu.memory_space<hbm>>
      %dma_start3A_167 = tpu.memref_squeeze %dma_start3A_166 : memref<1x640xf32, #tpu.memory_space<hbm>> -> memref<640xf32, #tpu.memory_space<hbm>>
      %dma_start3A_168 = tpu.memref_slice %arg7[%add3A_153, %mul3A_60] : memref<16x5120xf32, #tpu.memory_space<hbm>> -> memref<1x640xf32, #tpu.memory_space<hbm>>
      %dma_start3A_169 = tpu.memref_squeeze %dma_start3A_168 : memref<1x640xf32, #tpu.memory_space<hbm>> -> memref<640xf32, #tpu.memory_space<hbm>>
      tpu.enqueue_dma source(%arg10 : memref<640xf32, #tpu.memory_space<vmem>>) target(%dma_start3A_169 : memref<640xf32, #tpu.memory_space<hbm>>) target_semaphore(%run_scoped3A : memref<!tpu.dma_semaphore, #tpu.memory_space<semaphore_mem>>)
      %dma_wait3A_170 = tpu.memref_slice %arg7[%add3A_153, %mul3A_60] : memref<16x5120xf32, #tpu.memory_space<hbm>> -> memref<1x640xf32, #tpu.memory_space<hbm>>
      %dma_wait3A_171 = tpu.memref_squeeze %dma_wait3A_170 : memref<1x640xf32, #tpu.memory_space<hbm>> -> memref<640xf32, #tpu.memory_space<hbm>>
      %dma_wait3A_172 = tpu.memref_slice %arg7[%add3A_153, %mul3A_60] : memref<16x5120xf32, #tpu.memory_space<hbm>> -> memref<1x640xf32, #tpu.memory_space<hbm>>
      %dma_wait3A_173 = tpu.memref_squeeze %dma_wait3A_172 : memref<1x640xf32, #tpu.memory_space<hbm>> -> memref<640xf32, #tpu.memory_space<hbm>>
      tpu.wait_dma2 semaphore(%run_scoped3A : memref<!tpu.dma_semaphore, #tpu.memory_space<semaphore_mem>>) src(%arg10 : memref<640xf32, #tpu.memory_space<vmem>>) dst(%dma_wait3A_173 : memref<640xf32, #tpu.memory_space<hbm>>)
      tpu.yield
    }) : () -> ()
    %mul3A_154 = arith.constant 4 : i32
    %mul3A_155 = arith.muli %mul3A_154, %select_n3A_9 : i32
    %add3A_156 = arith.constant 1 : i32
    %add3A_157 = arith.addi %mul3A_155, %add3A_156 : i32
    "tpu.region"() ({
      %run_scoped3A = tpu.sem_alloc : memref<!tpu.dma_semaphore, #tpu.memory_space<semaphore_mem>>
      %dma_start3A_166 = tpu.memref_slice %arg7[%add3A_157, %mul3A_60] : memref<16x5120xf32, #tpu.memory_space<hbm>> -> memref<1x640xf32, #tpu.memory_space<hbm>>
      %dma_start3A_167 = tpu.memref_squeeze %dma_start3A_166 : memref<1x640xf32, #tpu.memory_space<hbm>> -> memref<640xf32, #tpu.memory_space<hbm>>
      %dma_start3A_168 = tpu.memref_slice %arg7[%add3A_157, %mul3A_60] : memref<16x5120xf32, #tpu.memory_space<hbm>> -> memref<1x640xf32, #tpu.memory_space<hbm>>
      %dma_start3A_169 = tpu.memref_squeeze %dma_start3A_168 : memref<1x640xf32, #tpu.memory_space<hbm>> -> memref<640xf32, #tpu.memory_space<hbm>>
      tpu.enqueue_dma source(%arg11 : memref<640xf32, #tpu.memory_space<vmem>>) target(%dma_start3A_169 : memref<640xf32, #tpu.memory_space<hbm>>) target_semaphore(%run_scoped3A : memref<!tpu.dma_semaphore, #tpu.memory_space<semaphore_mem>>)
      %dma_wait3A_170 = tpu.memref_slice %arg7[%add3A_157, %mul3A_60] : memref<16x5120xf32, #tpu.memory_space<hbm>> -> memref<1x640xf32, #tpu.memory_space<hbm>>
      %dma_wait3A_171 = tpu.memref_squeeze %dma_wait3A_170 : memref<1x640xf32, #tpu.memory_space<hbm>> -> memref<640xf32, #tpu.memory_space<hbm>>
      %dma_wait3A_172 = tpu.memref_slice %arg7[%add3A_157, %mul3A_60] : memref<16x5120xf32, #tpu.memory_space<hbm>> -> memref<1x640xf32, #tpu.memory_space<hbm>>
      %dma_wait3A_173 = tpu.memref_squeeze %dma_wait3A_172 : memref<1x640xf32, #tpu.memory_space<hbm>> -> memref<640xf32, #tpu.memory_space<hbm>>
      tpu.wait_dma2 semaphore(%run_scoped3A : memref<!tpu.dma_semaphore, #tpu.memory_space<semaphore_mem>>) src(%arg11 : memref<640xf32, #tpu.memory_space<vmem>>) dst(%dma_wait3A_173 : memref<640xf32, #tpu.memory_space<hbm>>)
      tpu.yield
    }) : () -> ()
    %mul3A_158 = arith.constant 4 : i32
    %mul3A_159 = arith.muli %mul3A_158, %select_n3A_9 : i32
    %add3A_160 = arith.constant 2 : i32
    %add3A_161 = arith.addi %mul3A_159, %add3A_160 : i32
    "tpu.region"() ({
      %run_scoped3A = tpu.sem_alloc : memref<!tpu.dma_semaphore, #tpu.memory_space<semaphore_mem>>
      %dma_start3A_166 = tpu.memref_slice %arg7[%add3A_161, %mul3A_60] : memref<16x5120xf32, #tpu.memory_space<hbm>> -> memref<1x640xf32, #tpu.memory_space<hbm>>
      %dma_start3A_167 = tpu.memref_squeeze %dma_start3A_166 : memref<1x640xf32, #tpu.memory_space<hbm>> -> memref<640xf32, #tpu.memory_space<hbm>>
      %dma_start3A_168 = tpu.memref_slice %arg7[%add3A_161, %mul3A_60] : memref<16x5120xf32, #tpu.memory_space<hbm>> -> memref<1x640xf32, #tpu.memory_space<hbm>>
      %dma_start3A_169 = tpu.memref_squeeze %dma_start3A_168 : memref<1x640xf32, #tpu.memory_space<hbm>> -> memref<640xf32, #tpu.memory_space<hbm>>
      tpu.enqueue_dma source(%arg12 : memref<640xf32, #tpu.memory_space<vmem>>) target(%dma_start3A_169 : memref<640xf32, #tpu.memory_space<hbm>>) target_semaphore(%run_scoped3A : memref<!tpu.dma_semaphore, #tpu.memory_space<semaphore_mem>>)
      %dma_wait3A_170 = tpu.memref_slice %arg7[%add3A_161, %mul3A_60] : memref<16x5120xf32, #tpu.memory_space<hbm>> -> memref<1x640xf32, #tpu.memory_space<hbm>>
      %dma_wait3A_171 = tpu.memref_squeeze %dma_wait3A_170 : memref<1x640xf32, #tpu.memory_space<hbm>> -> memref<640xf32, #tpu.memory_space<hbm>>
      %dma_wait3A_172 = tpu.memref_slice %arg7[%add3A_161, %mul3A_60] : memref<16x5120xf32, #tpu.memory_space<hbm>> -> memref<1x640xf32, #tpu.memory_space<hbm>>
      %dma_wait3A_173 = tpu.memref_squeeze %dma_wait3A_172 : memref<1x640xf32, #tpu.memory_space<hbm>> -> memref<640xf32, #tpu.memory_space<hbm>>
      tpu.wait_dma2 semaphore(%run_scoped3A : memref<!tpu.dma_semaphore, #tpu.memory_space<semaphore_mem>>) src(%arg12 : memref<640xf32, #tpu.memory_space<vmem>>) dst(%dma_wait3A_173 : memref<640xf32, #tpu.memory_space<hbm>>)
      tpu.yield
    }) : () -> ()
    %mul3A_162 = arith.constant 4 : i32
    %mul3A_163 = arith.muli %mul3A_162, %select_n3A_9 : i32
    %add3A_164 = arith.constant 3 : i32
    %add3A_165 = arith.addi %mul3A_163, %add3A_164 : i32
    "tpu.region"() ({
      %run_scoped3A = tpu.sem_alloc : memref<!tpu.dma_semaphore, #tpu.memory_space<semaphore_mem>>
      %dma_start3A_166 = tpu.memref_slice %arg7[%add3A_165, %mul3A_60] : memref<16x5120xf32, #tpu.memory_space<hbm>> -> memref<1x640xf32, #tpu.memory_space<hbm>>
      %dma_start3A_167 = tpu.memref_squeeze %dma_start3A_166 : memref<1x640xf32, #tpu.memory_space<hbm>> -> memref<640xf32, #tpu.memory_space<hbm>>
      %dma_start3A_168 = tpu.memref_slice %arg7[%add3A_165, %mul3A_60] : memref<16x5120xf32, #tpu.memory_space<hbm>> -> memref<1x640xf32, #tpu.memory_space<hbm>>
      %dma_start3A_169 = tpu.memref_squeeze %dma_start3A_168 : memref<1x640xf32, #tpu.memory_space<hbm>> -> memref<640xf32, #tpu.memory_space<hbm>>
      tpu.enqueue_dma source(%arg13 : memref<640xf32, #tpu.memory_space<vmem>>) target(%dma_start3A_169 : memref<640xf32, #tpu.memory_space<hbm>>) target_semaphore(%run_scoped3A : memref<!tpu.dma_semaphore, #tpu.memory_space<semaphore_mem>>)
      %dma_wait3A_170 = tpu.memref_slice %arg7[%add3A_165, %mul3A_60] : memref<16x5120xf32, #tpu.memory_space<hbm>> -> memref<1x640xf32, #tpu.memory_space<hbm>>
      %dma_wait3A_171 = tpu.memref_squeeze %dma_wait3A_170 : memref<1x640xf32, #tpu.memory_space<hbm>> -> memref<640xf32, #tpu.memory_space<hbm>>
      %dma_wait3A_172 = tpu.memref_slice %arg7[%add3A_165, %mul3A_60] : memref<16x5120xf32, #tpu.memory_space<hbm>> -> memref<1x640xf32, #tpu.memory_space<hbm>>
      %dma_wait3A_173 = tpu.memref_squeeze %dma_wait3A_172 : memref<1x640xf32, #tpu.memory_space<hbm>> -> memref<640xf32, #tpu.memory_space<hbm>>
      tpu.wait_dma2 semaphore(%run_scoped3A : memref<!tpu.dma_semaphore, #tpu.memory_space<semaphore_mem>>) src(%arg13 : memref<640xf32, #tpu.memory_space<vmem>>) dst(%dma_wait3A_173 : memref<640xf32, #tpu.memory_space<hbm>>)
      tpu.yield
    }) : () -> ()
    return
  }
}

</mosaic_0001>

<sc_bundles>
// kernel: kernel.4.cloned.1.call-start
scs
__scs_entry_jumppad:
0x0: {  	(pc) =	sbr.rel $0x88, $3  }
0x1: {  	(tag) =	ssettag $0x0;
	lr =	simm.s32 $0x1  }
0x2: {  	[smem:$0x3F9C] =	sst lr;
	_ =	strace $0xD0000000  }
0x3: {  	_ = 	snop  }
0x4: {  	_ = 	snop  }
0x5: {  	_ = 	snop  }
0x6: {  	_ = 	snop  }
0x7: {  	_ = 	snop  }
__scs_overlays_trampoline_lowered:
0x8: {  	[smem:$0x3FAB] =	sst s0  }
0x9: {  	[smem:$0x3FAC] =	sst s1  }
0xa: {  	[smem:$0x3FAD] =	sst s2  }
0xb: {  	[smem:$0x3FAE] =	sst s3  }
0xc: {  	[smem:$0x3FAF] =	sst s4  }
0xd: {  	[smem:$0x3FB0] =	sst s5  }
0xe: {  	[smem:$0x3FB1] =	sst s6  }
0xf: {  	[smem:$0x3FB2] =	sst s7  }
0x10: {  	[smem:$0x3FB3] =	sst s8  }
0x11: {  	[smem:$0x3FB4] =	sst s9;
	s0 =	simm.s32 @!p0 $0x0  }
0x12: {  	s1 =	sld [smem:$0x3F9A];
	s0 =	simm.s32 @p0 $0x1  }
0x13: {  	[smem:$0x3FB5] =	sst s0;
	s0 =	simm.s32 @!p1 $0x0  }
0x14: {  	s2 =	sld [smem:$0x3F99];
	s0 =	simm.s32 @p1 $0x1  }
0x15: {  	[smem:$0x3FB6] =	sst s0;
	s0 =	simm.s32 @!p2 $0x0  }
0x16: {  	s3 =	sld [smem:$0x3FDB];
	s0 =	simm.s32 @p2 $0x1  }
0x17: {  	s4 =	simm.s32 $0x1BF5;
	[smem:$0x3FB8] =	sst s0  }
0x18: {  	s0 =	sld [smem:$0x3F9B];
	_ =	swait.ge [sflag:s4], $0x0  }
0x19: {  	s7 =	sld [smem:$0x3F9C]  }
0x1a: {  	s8 =	sadd.s32 $0xFFFFE003, lr  }
0x1b: {  	s9 =	sadd.s32 $0xFFFFFEF7, lr;
	s5 =	simm.s32 $0xFFFFFFFF;
	p2 =	slt.u32 s8, $0xFFFFF086  }
0x1c: {  	p1 =	slt.u32 s9, $0xF7A;
	s5 =	simm.s32 @!p2 $0x0  }
0x1d: {  	s5 =	simm.s32 @p1 $0x1;
	p0 =	seq.s32 s7, s2  }
0x1e: {  	s7 =	smul.u32 @!p0 $0xF7A, s2;
	p2 =	seq.s32 @!p0 s5, $0x0  }
0x1f: {  	s9 =	smul.u32 $0xF7A, s1;
	s8 =	simm.s32 @!p0 $0x1BF5;
	p2 =	por !p2, p0  }
0x20: {  	[sflag:s8] =	ssyncset.s32 @!p0 $0xFFFFF086;
	s6 =	sadd.s32 @!p0 s3, s7;
	s7 =	simm.s32 @!p0 $0x108  }
0x21: {  	s3 =	sadd.s32 s3, s9;
	s6 =	sadd.s32 @!p0 $0x88, s6;
	s7 =	simm.s32 @p2 $0x1082  }
0x22: {  	[simem:s7], [sflag:s8] =	dma.local @!p0 [hbm:s6], $0xF7A  }
0x23: {  	s9 =	sor.u32 $0xD0000000, s2;
	s6 =	simm.s32 $0x108;
	_ =	swait.ge @!p0 [sflag:s8], $0x0  }
0x24: {  	s3 =	sadd.s32 $0x88, s3;
	s6 =	simm.s32 @!p1 $0x1082;
	[sflag:s4] =	ssyncset.s32 $0xFFFFF086  }
0x25: {  	[simem:s6], [sflag:s4] =	dma.local [hbm:s3], $0xF7A  }
0x26: {  	[smem:$0x3F9C] =	sst s1;
	(tag) =	ssettag s2;
	_ =	strace s9  }
0x27: {  	s1 =	sld [smem:$0x3FAC]  }
0x28: {  	s2 =	sld [smem:$0x3FAD]  }
0x29: {  	s4 =	sld [smem:$0x3FAF]  }
0x2a: {  	p0 =	seq.s32 s5, $0x0;
	s5 =	sld [smem:$0x3FB0]  }
0x2b: {  	s6 =	sld [smem:$0x3FB1]  }
0x2c: {  	s7 =	sld [smem:$0x3FB2]  }
0x2d: {  	s3 =	simm.s32 $0x108;
	s8 =	sld [smem:$0x3FB3]  }
0x2e: {  	s3 =	simm.s32 @!p0 $0x1082;
	s9 =	sld [smem:$0x3FB4]  }
0x2f: {  	lr =	sadd.s32 s0, s3;
	s0 =	sld [smem:$0x3FAB]  }
0x30: {  	s3 =	sld [smem:$0x3FAE]  }
0x31: {  	[smem:$0x3FB7] =	sst s10  }
0x32: {  	s10 =	sld [smem:$0x3FB5];
	_ =	sdelay $0x3  }
0x33: {  	p0 =	seq.s32 s10, $0x1;
	s10 =	sld [smem:$0x3FB7];
	_ =	sdelay $0x3  }
0x34: {  	[smem:$0x3FB7] =	sst s10  }
0x35: {  	s10 =	sld [smem:$0x3FB6];
	_ =	sdelay $0x3  }
0x36: {  	p1 =	seq.s32 s10, $0x1;
	s10 =	sld [smem:$0x3FB7];
	_ =	sdelay $0x3  }
0x37: {  	[smem:$0x3FB7] =	sst s10  }
0x38: {  	s10 =	sld [smem:$0x3FB8]  }
0x39: {  	_ = 	snop;
	(pc) =	sbr.ind lr, $3  }
0x3a: {  	_ = 	snop  }
0x3b: {  	_ = 	snop  }
0x3c: {  	p2 =	seq.s32 s10, $0x1;
	s10 =	sld [smem:$0x3FB7]  }
0x3d: {  	_ =	shalt  }
0x3e: {  	_ =	shalt  }
0x3f: {  	_ =	shalt  }
0x40: {  	_ =	shalt  }
0x41: {  	_ =	shalt  }
0x42: {  	_ =	shalt  }
0x43: {  	_ =	shalt  }
0x44: {  	_ =	shalt  }
0x45: {  	_ =	shalt  }
0x46: {  	_ =	shalt  }
0x47: {  	_ =	shalt  }
0x48: {  	_ =	shalt  }
0x49: {  	_ =	shalt  }
0x4a: {  	_ =	shalt  }
0x4b: {  	_ =	shalt  }
0x4c: {  	_ =	shalt  }
0x4d: {  	_ =	shalt  }
0x4e: {  	_ =	shalt  }
0x4f: {  	_ =	shalt  }
0x50: {  	_ =	shalt  }
0x51: {  	_ =	shalt  }
0x52: {  	_ =	shalt  }
0x53: {  	_ =	shalt  }
0x54: {  	_ =	shalt  }
0x55: {  	_ =	shalt  }
0x56: {  	_ =	shalt  }
0x57: {  	_ =	shalt  }
0x58: {  	_ =	shalt  }
0x59: {  	_ =	shalt  }
0x5a: {  	_ =	shalt  }
0x5b: {  	_ =	shalt  }
0x5c: {  	_ =	shalt  }
0x5d: {  	_ =	shalt  }
0x5e: {  	_ =	shalt  }
0x5f: {  	_ =	shalt  }
0x60: {  	_ =	shalt  }
0x61: {  	_ =	shalt  }
0x62: {  	_ =	shalt  }
0x63: {  	_ =	shalt  }
0x64: {  	_ =	shalt  }
0x65: {  	_ =	shalt  }
0x66: {  	_ =	shalt  }
0x67: {  	_ =	shalt  }
0x68: {  	_ =	shalt  }
0x69: {  	_ =	shalt  }
0x6a: {  	_ =	shalt  }
0x6b: {  	_ =	shalt  }
0x6c: {  	_ =	shalt  }
0x6d: {  	_ =	shalt  }
0x6e: {  	_ =	shalt  }
0x6f: {  	_ =	shalt  }
0x70: {  	_ =	shalt  }
0x71: {  	_ =	shalt  }
0x72: {  	_ =	shalt  }
0x73: {  	_ =	shalt  }
0x74: {  	_ =	shalt  }
0x75: {  	_ =	shalt  }
0x76: {  	_ =	shalt  }
0x77: {  	_ =	shalt  }
0x78: {  	_ =	shalt  }
0x79: {  	_ =	shalt  }
0x7a: {  	_ =	shalt  }
0x7b: {  	_ =	shalt  }
0x7c: {  	_ =	shalt  }
0x7d: {  	_ =	shalt  }
0x7e: {  	_ =	shalt  }
0x7f: {  	_ =	shalt  }
0x80: {  	_ =	shalt  }
0x81: {  	_ =	shalt  }
0x82: {  	_ =	shalt  }
0x83: {  	_ =	shalt  }
0x84: {  	_ =	shalt  }
0x85: {  	_ =	shalt  }
0x86: {  	_ =	shalt  }
0x87: {  	_ =	shalt  }
.Lfunc_end0:
.L_simem_size_0:
called_computation_lowered:
.L_overlay_start_0:
0x88: {  	s2 =	sld [smem:$0x3FD9]  }
0x89: {  	s3 =	sld [smem:$0x3FFE];
	_ =	sdelay $0x1  }
0x8a: {  	s1 =	srdreg.scid  }
0x8b: {  	s0 =	sand.u32 $0x1, s1  }
0x8c: {  	s17 =	sshll.u32 s0, $0xA;
	s2 =	sadd.s32 s3, s2  }
0x8d: {  	s2 =	sadd.s32 s2, s17  }
0x8e: {  	[smem:$0x3FC3] =	sst s2  }
0x8f: {  	_ = 	snop  }
0x90: {  	s2 =	sld [smem:$0x3FD0];
	(tm) =	ssettm $0x1  }
0x91: {  	s18 =	sld [smem:$0x3FFB];
	_ =	sdelay $0x3  }
0x92: {  	_ =	strace s18  }
0x93: {  	s3 =	sld [smem:$0x3FFC];
	_ =	sdelay $0x3  }
0x94: {  	_ =	strace s3  }
0x95: {  	s3 =	sld [smem:$0x3FFD];
	_ =	sdelay $0x3  }
0x96: {  	_ =	strace s3  }
0x97: {  	_ =	strace $0x8FFFFFFF  }
0x98: {  	s19 =	sld [smem:$0x3FDB];
	_ =	sdelay $0x1  }
0x99: {  	s4 =	simm.s32 $_scs_section_size  }
0x9a: {  	s5 =	simm.s32 $_size__tile_overlayer_lowered;
	s6 =	simm.s32 $_tile_overlayer_lowered  }
0x9b: {  	s22 =	simm.s32 $0x1BFF;
	s21 =	sshll.u32 s6, $0x1;
	s3 =	sadd.s32 s4, s19  }
0x9c: {  	s7 =	simm.s32 $0x0;
	s20 =	sshll.u32 s5, $0x1;
	s5 =	sadd.s32 s21, s3  }
0x9d: {  	[timem:s7], [sflag:s22] =	dma.local [hbm:s5], s20  }
0x9e: {  	_ =	swait.ge [sflag:s22], s20  }
0x9f: {  	s4 =	ssub.s32 $0x0, s20;
	[sflag:s22] =	ssyncset.done $0x0  }
0xa0: {  	[sflag:s22] =	ssyncadd.s32 s4;
	_ =	sdelay $0x1  }
0xa1: {  	s23 =	simm.s32 $0x1B8B  }
0xa2: {  	_ =	swait.ge [sflag:s23], $0x1  }
0xa3: {  	[sflag:s23] =	ssyncset.done $0x0  }
0xa4: {  	s25 =	simm.s32 $0x1B8E;
	s24 =	sld [smem:$0x3FFE];
	[sflag:s23] =	ssyncadd.s32 $0xFFFFFFFF  }
0xa5: {  	s26 =	simm.s32 $execute0_lowered;
	[smem:$0x3FD2] =	sst s25  }
0xa6: {  	s5 =	sshll.u32 s26, $0x1;
	_ =	strace $0x80000046;
	[dreg:$0x1] =	wrdreg $0xFFFFFFFF  }
0xa7: {  	s28 =	simm.s32 $_size_execute0_lowered;
	s3 =	sadd.s32 s3, s5;
	[dreg:$0x0] =	wrdreg $0x0  }
0xa8: {  	s5 =	sshll.u32 s28, $0x1;
	[dreg:$0x2] =	wrdreg s3  }
0xa9: {  	[dreg:$0x3] =	wrdreg s5  }
0xaa: {  	[dreg:$0x4] =	wrdreg $0xC0  }
0xab: {  	_ =	task [dreg:s7], $0x5FFFF  }
0xac: {  	[dreg:$0x1] =	wrdreg $0xFFFFFFFF  }
0xad: {  	[dreg:$0x0] =	wrdreg $0x60  }
0xae: {  	[dreg:$0x2] =	wrdreg s24  }
0xaf: {  	[dreg:$0x3] =	wrdreg s2  }
0xb0: {  	[dreg:$0x4] =	wrdreg $0x9  }
0xb1: {  	_ =	task.clear_ibuf [dreg:s7], $0x5FFFF;
	_ =	strace $0x90000046  }
0xb2: {  	s29 =	simm.s32 $0x9;
	_ =	strace $0x80000048  }
0xb3: {  	_ =	swait.ge [sflag:s29], $0x1  }
0xb4: {  	[sflag:s29] =	ssyncadd.s32 $0xFFFFFFFF  }
0xb5: {  	_ =	strace $0x90000048  }
0xb6: {  	_ =	sfence  }
0xb7: {  	s30 =	sld [smem:$0x0];
	_ =	sdelay $0x2  }
0xb8: {  	s31 =	sshll.u32 s1, $0xD;
	s1 =	sshrl.u32 s1, $0x2  }
0xb9: {  	s3 =	sand.u32 $0x4000, s31;
	s1 =	sadd.s32 s1, s30  }
0xba: {  	s0 =	sor.u32 s3, s0;
	s1 =	sshll.u32 s1, $0x11  }
0xbb: {  	s0 =	sor.u32 s1, s0  }
0xbc: {  	s0 =	sadd.s32 $0x8F2B, s0  }
0xbd: {  	[sflag:s0] =	ssyncadd.remote.s32 $0x1  }
0xbe: {  	_ =	sfence.sel $0xFFFF  }
0xbf: {  	[dreg:$0x0] =	wrdreg $0xFFFFFFFF;
	(pc) =	sbr.abs _section_cstart, $3  }
0xc0: {  	[dreg:$0x1] =	wrdreg $0xFFFFFFFF  }
0xc1: {  	_ =	task.clear_ibuf [dreg:s7], $0x2FFFF;
	_ =	strace $0x9FFFFFFF  }
0xc2: {  	(tm) =	ssettm $0x7FFFFFFF  }
0xc3: {  	_ =	shalt  }
tec
execute0_lowered:
.L_overlay_start_1:
0x0: {  	(tag) =	ssettag $0x1  }
0x1: {  	s0 =	rddreg [dreg:$0x0]  }
0x2: {  	s1 =	rddreg [dreg:$0x1];
	s2 =	simm.s32 $0x0;
	s6 =	stileid.u32  }
0x3: {  	s3 =	srdreg.scid;
	s17 =	simm.s32 $0xC380;
	s31 =	simm.s32 $0x1A100  }
0x4: {  	s28 =	simm.s32 $0x18C00;
	s29 =	simm.s32 $0x18E80;
	s30 =	simm.s32 $0x2  }
0x5: {  	[smem:$0x7FF] =	sst s2;
	s4 =	sshll.u32 s6, $0x1;
	s6 =	sshrl.u32 s6, $0x1  }
0x6: {  	s5 =	sand.u32 $0x1, s3;
	s3 =	sadd.s32 $0x189800, s0;
	s7 =	smul.u32 $0x50, s6  }
0x7: {  	s21 =	sand.u32 $0x2, s4;
	_ =	strace $0x80000047;
	s8 =	smul.u32 $0x1400, s6  }
0x8: {  	s11 =	ssub.s32 $0x2, s5;
	s25 =	sadd.s32 $0x1, s6;
	s4 =	sor.u32 s5, s21  }
0x9: {  	s9 =	sshrl.u32 s21, $0x1;
	s12 =	sshrl.u32 s11, $0x1;
	s5 =	sshll.u32 s5, $0x9  }
0xa: {  	s4 =	sshll.u32 s4, $0x5;
	s9 =	smul.u32 $0xA000, s9;
	s7 =	sadd.s32 s7, s0  }
0xb: {  	s10 =	sadd.s32 s4, s0;
	s4 =	sadd.s32 $0x1BA800, s0;
	s0 =	sadd.s32 $0x1C00, s0  }
0xc: {  	s22 =	ssub.s32 s11, s12;
	s7 =	sadd.s32 $0x1800, s7;
	[dreg:$0x3] =	wrdreg s0  }
0xd: {  	s8 =	sadd.s32 s8, s9;
	s23 =	sadd.s32 $0x1E00, s10;
	[dreg:$0x6] =	wrdreg s7  }
0xe: {  	s24 =	sadd.s32 $0x1E10, s10;
	s5 =	sor.u32 s5, s8;
	[dreg:$0x4] =	wrdreg s23  }
0xf: {  	s0 =	smax.u32 s22, $0x1;
	[dreg:$0x5] =	wrdreg s24;
	s5 =	sshrl.u32 s5, $0x3  }
0x10: {  	v0 =	vmov s6;
	s6 =	simm.s32 $0x0;
	[dreg:$0xb] =	wrdreg s0;
	s1 =	sadd.s32 s1, s5  }
.Ltmp0:
0x11: {  	s5 =	sadd.s32 $0x10, s1;
	[dreg:$0x7] =	wrdreg s1;
	(pc) =	sbr.rel .LBB2_1-.Ltmp0, $4  }
0x12: {  	v2 =	vlaneseq.u32;
	v1 =	vmov s25;
	s25 =	simm.s32 $0x18700;
	s26 =	sadd.s32 $0x20, s1;
	[dreg:$0x8] =	wrdreg s5  }
0x13: {  	vm0 =	veq.s32 v1, v2;
	v1 =	vimm.s32 $0x0;
	s7 =	simm.s32 $0x3;
	s1 =	sadd.s32 $0x30, s1;
	[dreg:$0x9] =	wrdreg s26  }
0x14: {  	v1 =	vsel vm0, $0xFFFFFFFF, v1;
	s22 =	simm.s32 $0x1;
	s24 =	simm.s32 $0x19100;
	[dreg:$0xa] =	wrdreg s1  }
0x15: {  	vm1 =	veq.s32 v0, v2;
	v0 =	vmul.u32 $0x200, v2;
	[tilespmem:$0x1FFF0] =	vst v1;
	s1 =	simm.s32 $0x80;
	s5 =	simm.s32 $0x400;
	s26 =	simm.s32 $0x18980  }
.LBB2_20:
0x16: {  	_ =	swait.ge [sflag:s22], $0x1000  }
0x17: {  	[sflag:s22] =	ssyncset.done $0x0  }
0x18: {  	[sflag:s22] =	ssyncadd.s32 $0xFFFFF000  }
0x19: {  	_ =	swait.ge [sflag:s22], $0x1000  }
0x1a: {  	s1 =	simm.s32 $0x80;
	s5 =	simm.s32 $0x400;
	[sflag:s22] =	ssyncset.done $0x0  }
0x1b: {  	s7 =	simm.s32 $0x3;
	s0 =	rddreg [dreg:$0x7];
	[sflag:s22] =	ssyncadd.s32 $0xFFFFF000  }
0x1c: {  	[hbm4b:s0+s1] =	stream.strided.scatter [tilespmem:s25], [sflag:$0x3], $0x280, s5, s1, $0x38;
	[tilespmem:$0x1D400] =	vst v63  }
0x1d: {  	_ =	swait.ge [sflag:s7], $0x280  }
0x1e: {  	[sflag:s7] =	ssyncset.done $0x0  }
0x1f: {  	s19 =	rddreg [dreg:$0x8];
	[sflag:s7] =	ssyncadd.s32 $0xFFFFFD80  }
0x20: {  	[hbm4b:s19+s1] =	stream.strided.scatter [tilespmem:s26], [sflag:$0x3], $0x280, s5, s1, $0x38;
	[tilespmem:$0x1D400] =	vst v63  }
0x21: {  	_ =	swait.ge [sflag:s7], $0x280  }
0x22: {  	[sflag:s7] =	ssyncset.done $0x0  }
0x23: {  	s20 =	rddreg [dreg:$0x9];
	[sflag:s7] =	ssyncadd.s32 $0xFFFFFD80  }
0x24: {  	[hbm4b:s20+s1] =	stream.strided.scatter [tilespmem:s28], [sflag:$0x3], $0x280, s5, s1, $0x38;
	[tilespmem:$0x1D400] =	vst v63  }
0x25: {  	_ =	swait.ge [sflag:s7], $0x280  }
0x26: {  	[sflag:s7] =	ssyncset.done $0x0  }
0x27: {  	s21 =	rddreg [dreg:$0xa];
	[sflag:s7] =	ssyncadd.s32 $0xFFFFFD80  }
0x28: {  	[hbm4b:s21+s1] =	stream.strided.scatter [tilespmem:s29], [sflag:$0x3], $0x280, s5, s1, $0x38;
	[tilespmem:$0x1D400] =	vst v63  }
0x29: {  	_ =	swait.ge [sflag:s7], $0x280  }
0x2a: {  	s6 =	rddreg [dreg:$0xc]  }
0x2b: {  	s23 =	rddreg [dreg:$0xb];
	s6 =	sadd.s32 $0x1, s6  }
0x2c: {  	p0 =	sne.s32 s6, s23  }
.Ltmp1:
0x2d: {  	_ = 	snop;
	(pc) =	sbr.rel @!p0 .LBB2_21-.Ltmp1, $3  }
0x2e: {  	_ =	sdelay $0x1  }
0x2f: {  	[sflag:s7] =	ssyncset.done $0x0  }
0x30: {  	[sflag:s7] =	ssyncadd.s32 $0xFFFFFD80  }
.LBB2_1:
0x31: {  	[dreg:$0xc] =	wrdreg s6  }
0x32: {  	s0 =	rddreg [dreg:$0x4]  }
0x33: {  	[tilespmem:s2], [sflag:$0x3] =	stream.strided.gather [hbm4b:s0+s1], $0xC380, s5, s1, $0x38;
	[tilespmem:$0x1D400] =	vst v63  }
0x34: {  	_ =	swait.ge [sflag:s7], $0xC380  }
0x35: {  	[sflag:s7] =	ssyncset.done $0x0  }
0x36: {  	s18 =	rddreg [dreg:$0x5];
	[sflag:s7] =	ssyncadd.s32 $0xFFFF3C80  }
0x37: {  	[tilespmem:s17], [sflag:$0x3] =	stream.strided.gather [hbm4b:s18+s1], $0xC380, s5, s1, $0x38;
	[tilespmem:$0x1D400] =	vst v63  }
0x38: {  	_ =	swait.ge [sflag:s7], $0xC380  }
0x39: {  	[sflag:s7] =	ssyncset.done $0x0  }
0x3a: {  	s20 =	simm.s32 $0x1D100;
	s19 =	rddreg [dreg:$0x3];
	[sflag:s7] =	ssyncadd.s32 $0xFFFF3C80  }
0x3b: {  	[tilespmem:s20], [sflag:$0x3] =	stream.linear.gather [hbm4b:s19+s2], $0x80, $0x38;
	[tilespmem:$0x1D400] =	vst v63  }
0x3c: {  	_ =	swait.ge [sflag:s7], $0x80  }
0x3d: {  	[sflag:s7] =	ssyncset.done $0x0  }
0x3e: {  	s23 =	simm.s32 $0x1D180;
	s21 =	rddreg [dreg:$0x6];
	[sflag:s7] =	ssyncadd.s32 $0xFFFFFF80  }
0x3f: {  	v1 =	vld [tilespmem:$0x1D100];
	[tilespmem:s23], [sflag:$0x3] =	stream.linear.gather [hbm4b:s21+s2], $0x280, $0x38  }
0x40: {  	_ =	swait.ge [sflag:s7], $0x280  }
0x41: {  	[sflag:s7] =	ssyncset.done $0x0  }
0x42: {  	s5 =	simm.s32 $0x0;
	[sflag:s7] =	ssyncadd.s32 $0xFFFFFD80  }
0x43: {  	v3 =	vld [tilespmem:s5+$0x1D180];
	_ =	sdelay $0x1  }
0x44: {  	s0 =	simm.s32 $0x40  }
.LBB2_2:
0x45: {  	p0 =	sne.s32 s0, $0x9C0  }
.Ltmp2:
0x46: {  	_ = 	snop;
	(pc) =	sbr.rel @p0 .LBB2_2-.Ltmp2, $4  }
0x47: {  	s1 =	sshra.s32 s0, $0x2;
	[tilespmem:s5+$0x18E80] =	vst v3;
	v2 =	vmov v3  }
0x48: {  	v3 =	vld [tilespmem:s1+$0x1D180];
	[tilespmem:s5+$0x18700] =	vst v2  }
0x49: {  	[tilespmem:s5+$0x18980] =	vst v2  }
0x4a: {  	s0 =	sadd.s32 $0x40, s0;
	[tilespmem:s5+$0x18C00] =	vst v2;
	s5 =	smov.u32 s1  }
0x4b: {  	v2 =	vnsel vm1, $0x0, v1  }
0x4c: {  	(xrf0) =	vadd.scan.msk.s32 $0xffff, v2;
	v2 =	vld [tilespmem:$0x1FFF0];
	_ =	sdelay $0x4  }
0x4d: {  	vm0 =	vnez.u8 v2  }
0x4e: {  	v1 =	vnsel vm0, $0x0, v1  }
0x4f: {  	(xrf0) =	vadd.scan.msk.s32 $0xffff, v1;
	_ =	sdelay $0x2  }
0x50: {  	v1, _, _ =	vpop (xrf0)  }
0x51: {  	(v2sf) =	vpush v1, $0xF;
	_ =	sdelay $0x1  }
0x52: {  	v2, _, _ =	vpop (xrf0)  }
0x53: {  	(v2sf) =	vpush v2, $0xF;
	_ =	sdelay $0xb  }
0x54: {  	s0 =	spop (v2sf)  }
0x55: {  	s1 =	sand.u32 $0xFFFFE000, s0  }
0x56: {  	[tilespmem:s5+$0x18E80] =	vst v3;
	p0 =	slt.s32 s1, $0x187000;
	s6 =	smov.u32 s1  }
0x57: {  	[tilespmem:s5+$0x18700] =	vst v3;
	s6 =	simm.s32 @!p0 $0x187000;
	s18 =	spop (v2sf)  }
0x58: {  	[tilespmem:s5+$0x18980] =	vst v3;
	s6 =	sshrl.u32 s6, $0x3;
	s7 =	ssub.s32 s18, s1  }
0x59: {  	[tilespmem:s5+$0x18C00] =	vst v3;
	s20 =	sadd.s32 s3, s6;
	s19 =	sadd.s32 $0x1FFF, s7  }
0x5a: {  	[tilespmem:s24], [sflag:$0x1] =	stream.linear.gather [hbm4b:s20+s2], $0x1000, $0x38;
	[tilespmem:$0x1D400] =	vst v63  }
0x5b: {  	s6 =	sadd.s32 s4, s6;
	s21 =	sshra.s32 s19, $0xC  }
0x5c: {  	[tilespmem:s31], [sflag:$0x1] =	stream.linear.gather [hbm4b:s6+s2], $0x1000, $0x38;
	[tilespmem:$0x1D400] =	vst v63  }
0x5d: {  	s23 =	sxor.u32 $0xFFFFFFFF, s21  }
0x5e: {  	s8 =	sshra.s32 s19, $0x1F;
	s6 =	sshrl.u32 s23, $0x1F  }
0x5f: {  	s5 =	sshrl.u32 s19, $0x1F;
	s7 =	sor.u32 $0x1, s21;
	s6 =	sadd.s32 s6, s8  }
0x60: {  	s5 =	sadd.s32 s5, s7;
	p0 =	sne.s32 s6, $0x1;
	s6 =	simm.s32 $0x1  }
0x61: {  	s5 =	sshra.s32 s5, $0x1;
	s6 =	simm.s32 @!p0 $0x0  }
0x62: {  	s19 =	ssub.s32 s5, s6  }
0x63: {  	p0 =	slt.s32 s19, $0x1  }
.Ltmp3:
0x64: {  	_ = 	snop;
	(pc) =	sbr.rel @p0 .LBB2_20-.Ltmp3, $1  }
0x65: {  	_ =	sdelay $0x3  }
.Ltmp4:
0x66: {  	(pc) =	sbr.rel .LBB2_5-.Ltmp4, $3  }
0x67: {  	_ =	sdelay $0x1  }
0x68: {  	s5 =	sadd.s32 $0x2000, s1  }
0x69: {  	v1 =	vbroadcast v1, $0xF;
	v2 =	vbroadcast v2, $0xF;
	s13 =	sadd.s32 $0x7, s1;
	s7 =	sadd.s32 $0x107, s1;
	s8 =	simm.s32 $0x0  }
.LBB2_15:
0x6a: {  	_ =	sdelay $0x4  }
0x6b: {  	[tilespmem:v7+s28+$0x0] =	vst.idx.add.f32.msk vm2, v11  }
0x6c: {  	[tilespmem:v7+s29+$0x0] =	vst.idx.add.f32.msk vm2, v10  }
.LBB2_19:
0x6d: {  	s8 =	sadd.s32 $0x1, s8  }
0x6e: {  	p0 =	sne.s32 s8, s19  }
.Ltmp5:
0x6f: {  	_ = 	snop;
	(pc) =	sbr.rel @!p0 .LBB2_20-.Ltmp5, $2  }
0x70: {  	_ =	sdelay $0x2  }
0x71: {  	s13 =	sadd.s32 $0x2000, s13;
	s7 =	sadd.s32 $0x2000, s7  }
.LBB2_5:
0x72: {  	s11 =	sshll.u32 s8, $0xD  }
0x73: {  	_ =	swait.ge [sflag:s22], $0x1000;
	s6 =	sadd.s32 s1, s11  }
0x74: {  	[sflag:s22] =	ssyncset.done $0x0;
	s10 =	sadd.s32 $0x1000, s6  }
0x75: {  	[sflag:s22] =	ssyncadd.s32 $0xFFFFF000;
	p0 =	slt.s32 s10, $0x187000;
	s9 =	smov.u32 s10  }
0x76: {  	s9 =	simm.s32 @!p0 $0x187000;
	p0 =	slt.s32 s6, s0;
	s6 =	sadd.s32 $0x2000, s6  }
0x77: {  	s14 =	simm.s32 $0x1B100;
	_ =	swait.ge [sflag:s22], $0x1000;
	p1 =	sgt.s32 @!p0 s6, s18  }
0x78: {  	[sflag:s22] =	ssyncset.done $0x0;
	s9 =	sshrl.u32 s9, $0x3;
	p1 =	por p0, p1  }
.Ltmp6:
0x79: {  	[sflag:s22] =	ssyncadd.s32 $0xFFFFF000;
	s12 =	sadd.s32 s3, s9;
	(pc) =	sbr.rel @p1 .LBB2_6-.Ltmp6, $4  }
0x7a: {  	[tilespmem:s14], [sflag:$0x2] =	stream.linear.gather [hbm4b:s12+s2], $0x1000, $0x38;
	[tilespmem:$0x1D400] =	vst v63  }
0x7b: {  	s23 =	simm.s32 $0x1C100;
	s9 =	sadd.s32 s4, s9  }
0x7c: {  	[tilespmem:s23], [sflag:$0x2] =	stream.linear.gather [hbm4b:s9+s2], $0x1000, $0x38;
	[tilespmem:$0x1D400] =	vst v63  }
0x7d: {  	s14 =	simm.s32 $0xFFFFFF80;
	s12 =	simm.s32 $0x1A140;
	s9 =	simm.s32 $0x19140  }
0x7e: {  	v3 =	vld [tilespmem:s9+$0x30]  }
0x7f: {  	v4 =	vld [tilespmem:s9+$0xFFFFFFD0]  }
0x80: {  	v5 =	vld [tilespmem:s9+$0xFFFFFFE0]  }
0x81: {  	v6 =	vld [tilespmem:s9+$0xFFFFFFF0]  }
0x82: {  	v8 =	vld [tilespmem:s9+$0x0]  }
0x83: {  	v9 =	vld [tilespmem:s9+$0xFFFFFFC0]  }
0x84: {  	v10 =	vld [tilespmem:s9+$0x10]  }
0x85: {  	v12 =	vld [tilespmem:s9+$0x20]  }
0x86: {  	v15 =	vld [tilespmem:s12+$0x30]  }
0x87: {  	v24 =	vld [tilespmem:s12+$0xFFFFFFC0]  }
0x88: {  	v25 =	vld [tilespmem:s12+$0xFFFFFFD0]  }
0x89: {  	v26 =	vld [tilespmem:s12+$0xFFFFFFE0];
	v7 =	vand.u32 $0xFFFF, v3  }
0x8a: {  	v27 =	vld [tilespmem:s12+$0xFFFFFFF0]  }
0x8b: {  	v29 =	vld [tilespmem:s12+$0x0];
	v11 =	vand.u32 $0xFFFF, v4  }
0x8c: {  	v30 =	vld [tilespmem:s12+$0x10]  }
0x8d: {  	v32 =	vld [tilespmem:s12+$0x20];
	v13 =	vand.u32 $0xFFFF, v5  }
0x8e: {  	v14 =	vld.idx.msk [tilespmem:v7+s2+$0x0], $0xffff  }
0x8f: {  	v16 =	vand.u32 $0xFFFF, v9;
	v7 =	vld.idx.msk [tilespmem:v7+s17+$0x0], $0xffff  }
0x90: {  	v17 =	vld.idx.msk [tilespmem:v11+s2+$0x0], $0xffff  }
0x91: {  	v21 =	vand.u32 $0xFFFF, v6;
	v11 =	vld.idx.msk [tilespmem:v11+s17+$0x0], $0xffff  }
0x92: {  	v49 =	vand.u32 $0xFFFF, v8;
	v18 =	vld.idx.msk [tilespmem:v13+s2+$0x0], $0xffff  }
0x93: {  	v13 =	vld.idx.msk [tilespmem:v13+s17+$0x0], $0xffff  }
0x94: {  	v50 =	vand.u32 $0xFFFF, v10;
	v20 =	vld.idx.msk [tilespmem:v16+s2+$0x0], $0xffff  }
0x95: {  	v51 =	vand.u32 $0xFFFF, v12;
	v16 =	vld.idx.msk [tilespmem:v16+s17+$0x0], $0xffff  }
0x96: {  	v3 =	vshra.s32 v3, $0x10;
	v52 =	vld.idx.msk [tilespmem:v21+s17+$0x0], $0xffff  }
0x97: {  	v9 =	vshra.s32 v9, $0x10;
	v53 =	vld.idx.msk [tilespmem:v49+s2+$0x0], $0xffff  }
0x98: {  	v4 =	vshra.s32 v4, $0x10;
	v54 =	vld.idx.msk [tilespmem:v49+s17+$0x0], $0xffff;
	v19 =	vshll.u32 v14, $0x10  }
0x99: {  	v55 =	vld.idx.msk [tilespmem:v50+s2+$0x0], $0xffff;
	v28 =	vshll.u32 v20, $0x10;
	v19 =	vmul.f32 v19, v15  }
0x9a: {  	v23 =	vld.idx.msk [tilespmem:v51+s2+$0x0], $0xffff;
	v56 =	vshll.u32 v17, $0x10;
	v28 =	vmul.f32 v28, v24  }
0x9b: {  	v14 =	vand.u32 $0xFFFF0000, v14;
	v57 =	vmul.f32 v56, v25;
	[tilespmem:v3+s25+$0x0] =	vst.idx.add.f32.msk $0xffff, v19  }
0x9c: {  	v14 =	vmul.f32 v14, v15;
	[tilespmem:v9+s25+$0x0] =	vst.idx.add.f32.msk $0xffff, v28  }
0x9d: {  	v20 =	vand.u32 $0xFFFF0000, v20;
	[tilespmem:v4+s25+$0x0] =	vst.idx.add.f32.msk $0xffff, v57  }
0x9e: {  	v17 =	vand.u32 $0xFFFF0000, v17;
	v20 =	vmul.f32 v20, v24;
	[tilespmem:v3+s26+$0x0] =	vst.idx.add.f32.msk $0xffff, v14  }
0x9f: {  	v22 =	vshll.u32 v7, $0x10;
	v17 =	vmul.f32 v17, v25;
	v14 =	vld.idx.msk [tilespmem:v50+s17+$0x0], $0xffff  }
0xa0: {  	v31 =	vshll.u32 v16, $0x10;
	v48 =	vmul.f32 v22, v15;
	[tilespmem:v9+s26+$0x0] =	vst.idx.add.f32.msk $0xffff, v20  }
0xa1: {  	v7 =	vand.u32 $0xFFFF0000, v7;
	v31 =	vmul.f32 v31, v24;
	[tilespmem:v4+s26+$0x0] =	vst.idx.add.f32.msk $0xffff, v17  }
0xa2: {  	v7 =	vmul.f32 v7, v15;
	[tilespmem:v3+s28+$0x0] =	vst.idx.add.f32.msk $0xffff, v48  }
0xa3: {  	v16 =	vand.u32 $0xFFFF0000, v16;
	[tilespmem:v9+s28+$0x0] =	vst.idx.add.f32.msk $0xffff, v31  }
0xa4: {  	v5 =	vshra.s32 v5, $0x10;
	v16 =	vmul.f32 v16, v24;
	[tilespmem:v3+s29+$0x0] =	vst.idx.add.f32.msk $0xffff, v7  }
0xa5: {  	v58 =	vshll.u32 v11, $0x10;
	v3 =	vld.idx.msk [tilespmem:v21+s2+$0x0], $0xffff  }
0xa6: {  	v59 =	vshll.u32 v18, $0x10;
	[tilespmem:v9+s29+$0x0] =	vst.idx.add.f32.msk $0xffff, v16;
	v9 =	vand.u32 $0xFFFF0000, v11;
	v11 =	vmul.f32 v58, v25  }
0xa7: {  	v7 =	vld.idx.msk [tilespmem:v51+s17+$0x0], $0xffff;
	v16 =	vmul.f32 v59, v26  }
0xa8: {  	v60 =	vand.u32 $0xFFFF0000, v18;
	v9 =	vmul.f32 v9, v25;
	[tilespmem:v4+s28+$0x0] =	vst.idx.add.f32.msk $0xffff, v11  }
0xa9: {  	v6 =	vshra.s32 v6, $0x10;
	v17 =	vmul.f32 v60, v26;
	v11 =	vshll.u32 v13, $0x10;
	[tilespmem:v5+s25+$0x0] =	vst.idx.add.f32.msk $0xffff, v16  }
0xaa: {  	[tilespmem:v4+s29+$0x0] =	vst.idx.add.f32.msk $0xffff, v9;
	v4 =	vand.u32 $0xFFFF0000, v13;
	v9 =	vmul.f32 v11, v26  }
0xab: {  	v8 =	vshra.s32 v8, $0x10;
	[tilespmem:v5+s26+$0x0] =	vst.idx.add.f32.msk $0xffff, v17;
	v4 =	vmul.f32 v4, v26;
	v11 =	vshll.u32 v3, $0x10  }
0xac: {  	v3 =	vand.u32 $0xFFFF0000, v3;
	[tilespmem:v5+s28+$0x0] =	vst.idx.add.f32.msk $0xffff, v9;
	v9 =	vshll.u32 v52, $0x10;
	v11 =	vmul.f32 v11, v27  }
0xad: {  	v3 =	vmul.f32 v3, v27;
	[tilespmem:v5+s29+$0x0] =	vst.idx.add.f32.msk $0xffff, v4;
	v5 =	vmul.f32 v9, v27;
	v9 =	vshll.u32 v53, $0x10  }
0xae: {  	v9 =	vmul.f32 v9, v29;
	[tilespmem:v6+s25+$0x0] =	vst.idx.add.f32.msk $0xffff, v11  }
0xaf: {  	v4 =	vand.u32 $0xFFFF0000, v52;
	[tilespmem:v6+s26+$0x0] =	vst.idx.add.f32.msk $0xffff, v3  }
0xb0: {  	v4 =	vmul.f32 v4, v27;
	v3 =	vand.u32 $0xFFFF0000, v53;
	[tilespmem:v8+s25+$0x0] =	vst.idx.add.f32.msk $0xffff, v9  }
0xb1: {  	[tilespmem:v6+s28+$0x0] =	vst.idx.add.f32.msk $0xffff, v5;
	v5 =	vshra.s32 v10, $0x10;
	v10 =	vshll.u32 v54, $0x10;
	v3 =	vmul.f32 v3, v29  }
0xb2: {  	[tilespmem:v6+s29+$0x0] =	vst.idx.add.f32.msk $0xffff, v4;
	v4 =	vand.u32 $0xFFFF0000, v54;
	v61 =	vmul.f32 v10, v29  }
0xb3: {  	v9 =	vshll.u32 v55, $0x10;
	v4 =	vmul.f32 v4, v29;
	[tilespmem:v8+s26+$0x0] =	vst.idx.add.f32.msk $0xffff, v3  }
0xb4: {  	v9 =	vmul.f32 v9, v30;
	v10 =	vand.u32 $0xFFFF0000, v55;
	v3 =	vshra.s32 v12, $0x10;
	[tilespmem:v8+s28+$0x0] =	vst.idx.add.f32.msk $0xffff, v61  }
0xb5: {  	v62 =	vshll.u32 v14, $0x10;
	v10 =	vmul.f32 v10, v30;
	[tilespmem:v8+s29+$0x0] =	vst.idx.add.f32.msk $0xffff, v4  }
0xb6: {  	v6 =	vmul.f32 v62, v30;
	v8 =	vshll.u32 v23, $0x10;
	[tilespmem:v5+s25+$0x0] =	vst.idx.add.f32.msk $0xffff, v9  }
0xb7: {  	v4 =	vand.u32 $0xFFFF0000, v14;
	v8 =	vmul.f32 v8, v32;
	[tilespmem:v5+s26+$0x0] =	vst.idx.add.f32.msk $0xffff, v10  }
0xb8: {  	v4 =	vmul.f32 v4, v30;
	v9 =	vand.u32 $0xFFFF0000, v23;
	[tilespmem:v5+s28+$0x0] =	vst.idx.add.f32.msk $0xffff, v6  }
0xb9: {  	v63 =	vmul.f32 v9, v32;
	[tilespmem:v3+s25+$0x0] =	vst.idx.add.f32.msk $0xffff, v8  }
0xba: {  	[tilespmem:v5+s29+$0x0] =	vst.idx.add.f32.msk $0xffff, v4;
	v4 =	vshll.u32 v7, $0x10;
	v5 =	vand.u32 $0xFFFF0000, v7  }
0xbb: {  	s6 =	sadd.s32 $0x80, s14;
	s9 =	sadd.s32 $0x80, s9;
	[tilespmem:v3+s26+$0x0] =	vst.idx.add.f32.msk $0xffff, v63;
	v10 =	vmul.f32 v4, v32;
	v9 =	vmul.f32 v5, v32  }
.LBB2_10:
0xbc: {  	v11 =	vld [tilespmem:s9+$0x30]  }
0xbd: {  	v4 =	vld [tilespmem:s9+$0xFFFFFFD0]  }
0xbe: {  	v5 =	vld [tilespmem:s9+$0xFFFFFFE0]  }
0xbf: {  	s6 =	sadd.s32 $0x80, s6;
	v12 =	vld [tilespmem:s9+$0xFFFFFFF0]  }
0xc0: {  	p0 =	slt.u32 s6, $0xF80;
	v13 =	vld [tilespmem:s9+$0x0]  }
0xc1: {  	v14 =	vld [tilespmem:s9+$0x10];
	v15 =	vand.u32 $0xFFFF, v11  }
0xc2: {  	v8 =	vshra.s32 v4, $0x10;
	v16 =	vand.u32 $0xFFFF, v4;
	v17 =	vld [tilespmem:s9+$0x20]  }
0xc3: {  	v18 =	vld [tilespmem:s9+$0xFFFFFFC0];
	v7 =	vshra.s32 v5, $0x10;
	v19 =	vand.u32 $0xFFFF, v5  }
0xc4: {  	v6 =	vshra.s32 v12, $0x10;
	v12 =	vand.u32 $0xFFFF, v12;
	[tilespmem:v3+s28+$0x0] =	vst.idx.add.f32.msk $0xffff, v10  }
0xc5: {  	v5 =	vshra.s32 v13, $0x10;
	v10 =	vand.u32 $0xFFFF, v13;
	[tilespmem:v3+s29+$0x0] =	vst.idx.add.f32.msk $0xffff, v9  }
0xc6: {  	s12 =	sadd.s32 $0x80, s12;
	v4 =	vshra.s32 v14, $0x10;
	v9 =	vand.u32 $0xFFFF, v14;
	v13 =	vld.idx.msk [tilespmem:v15+s2+$0x0], $0xffff  }
0xc7: {  	v3 =	vshra.s32 v17, $0x10;
	v14 =	vand.u32 $0xFFFF, v17;
	v17 =	vld [tilespmem:s12+$0x30]  }
0xc8: {  	v20 =	vshra.s32 v18, $0x10;
	v18 =	vand.u32 $0xFFFF, v18;
	v15 =	vld.idx.msk [tilespmem:v15+s17+$0x0], $0xffff  }
0xc9: {  	v21 =	vld.idx.msk [tilespmem:v16+s2+$0x0], $0xffff  }
0xca: {  	v11 =	vshra.s32 v11, $0x10;
	v16 =	vld.idx.msk [tilespmem:v16+s17+$0x0], $0xffff  }
0xcb: {  	v22 =	vld.idx.msk [tilespmem:v19+s2+$0x0], $0xffff  }
0xcc: {  	v23 =	vshll.u32 v13, $0x10;
	v19 =	vld.idx.msk [tilespmem:v19+s17+$0x0], $0xffff  }
0xcd: {  	v13 =	vand.u32 $0xFFFF0000, v13;
	v23 =	vmul.f32 v23, v17;
	v24 =	vld.idx.msk [tilespmem:v18+s2+$0x0], $0xffff  }
0xce: {  	v13 =	vmul.f32 v13, v17;
	v25 =	vshll.u32 v15, $0x10;
	v18 =	vld.idx.msk [tilespmem:v18+s17+$0x0], $0xffff  }
0xcf: {  	v15 =	vand.u32 $0xFFFF0000, v15;
	v26 =	vshll.u32 v21, $0x10;
	[tilespmem:v11+s25+$0x0] =	vst.idx.add.f32.msk $0xffff, v23;
	v23 =	vmul.f32 v25, v17  }
0xd0: {  	v21 =	vand.u32 $0xFFFF0000, v21;
	v25 =	vshll.u32 v16, $0x10;
	[tilespmem:v11+s26+$0x0] =	vst.idx.add.f32.msk $0xffff, v13;
	v13 =	vmul.f32 v15, v17  }
0xd1: {  	v15 =	vand.u32 $0xFFFF0000, v16;
	v16 =	vshll.u32 v22, $0x10;
	v17 =	vand.u32 $0xFFFF0000, v22;
	[tilespmem:v11+s28+$0x0] =	vst.idx.add.f32.msk $0xffff, v23  }
0xd2: {  	v22 =	vshll.u32 v19, $0x10;
	v19 =	vand.u32 $0xFFFF0000, v19;
	[tilespmem:v11+s29+$0x0] =	vst.idx.add.f32.msk $0xffff, v13  }
0xd3: {  	v11 =	vshll.u32 v24, $0x10;
	v13 =	vand.u32 $0xFFFF0000, v24;
	v23 =	vld.idx.msk [tilespmem:v12+s2+$0x0], $0xffff  }
0xd4: {  	v24 =	vshll.u32 v18, $0x10;
	v18 =	vand.u32 $0xFFFF0000, v18;
	v12 =	vld.idx.msk [tilespmem:v12+s17+$0x0], $0xffff  }
0xd5: {  	v27 =	vld.idx.msk [tilespmem:v10+s2+$0x0], $0xffff  }
0xd6: {  	v10 =	vld.idx.msk [tilespmem:v10+s17+$0x0], $0xffff  }
0xd7: {  	v28 =	vld.idx.msk [tilespmem:v9+s2+$0x0], $0xffff  }
0xd8: {  	v9 =	vld.idx.msk [tilespmem:v9+s17+$0x0], $0xffff  }
0xd9: {  	v29 =	vshll.u32 v23, $0x10;
	v23 =	vand.u32 $0xFFFF0000, v23;
	v30 =	vld.idx.msk [tilespmem:v14+s2+$0x0], $0xffff  }
0xda: {  	v31 =	vshll.u32 v12, $0x10;
	v12 =	vand.u32 $0xFFFF0000, v12;
	v14 =	vld.idx.msk [tilespmem:v14+s17+$0x0], $0xffff  }
0xdb: {  	v33 =	vshll.u32 v27, $0x10;
	v27 =	vand.u32 $0xFFFF0000, v27;
	v32 =	vld [tilespmem:s12+$0xFFFFFFC0]  }
0xdc: {  	v35 =	vshll.u32 v10, $0x10;
	v10 =	vand.u32 $0xFFFF0000, v10;
	v34 =	vld [tilespmem:s12+$0xFFFFFFD0]  }
0xdd: {  	v37 =	vshll.u32 v28, $0x10;
	v28 =	vand.u32 $0xFFFF0000, v28;
	v36 =	vld [tilespmem:s12+$0xFFFFFFE0]  }
0xde: {  	v39 =	vshll.u32 v9, $0x10;
	v9 =	vand.u32 $0xFFFF0000, v9;
	v38 =	vld [tilespmem:s12+$0xFFFFFFF0]  }
0xdf: {  	v41 =	vshll.u32 v30, $0x10;
	v30 =	vand.u32 $0xFFFF0000, v30;
	v40 =	vld [tilespmem:s12+$0x0]  }
0xe0: {  	v43 =	vshll.u32 v14, $0x10;
	v14 =	vand.u32 $0xFFFF0000, v14;
	v11 =	vmul.f32 v11, v32;
	v42 =	vld [tilespmem:s12+$0x10]  }
0xe1: {  	v13 =	vmul.f32 v13, v32;
	v24 =	vmul.f32 v24, v32;
	v44 =	vld [tilespmem:s12+$0x20]  }
0xe2: {  	[tilespmem:v20+s25+$0x0] =	vst.idx.add.f32.msk $0xffff, v11;
	v11 =	vmul.f32 v18, v32;
	v18 =	vmul.f32 v26, v34  }
0xe3: {  	[tilespmem:v20+s26+$0x0] =	vst.idx.add.f32.msk $0xffff, v13;
	v13 =	vmul.f32 v21, v34;
	v21 =	vmul.f32 v25, v34  }
0xe4: {  	v15 =	vmul.f32 v15, v34;
	v16 =	vmul.f32 v16, v36;
	[tilespmem:v20+s28+$0x0] =	vst.idx.add.f32.msk $0xffff, v24  }
0xe5: {  	[tilespmem:v20+s29+$0x0] =	vst.idx.add.f32.msk $0xffff, v11;
	v11 =	vmul.f32 v17, v36;
	v17 =	vmul.f32 v22, v36  }
0xe6: {  	[tilespmem:v8+s25+$0x0] =	vst.idx.add.f32.msk $0xffff, v18;
	v18 =	vmul.f32 v19, v36;
	v19 =	vmul.f32 v29, v38  }
0xe7: {  	v20 =	vmul.f32 v31, v38;
	[tilespmem:v8+s26+$0x0] =	vst.idx.add.f32.msk $0xffff, v13;
	v13 =	vmul.f32 v23, v38  }
0xe8: {  	v12 =	vmul.f32 v12, v38;
	[tilespmem:v8+s28+$0x0] =	vst.idx.add.f32.msk $0xffff, v21;
	v21 =	vmul.f32 v33, v40  }
0xe9: {  	[tilespmem:v8+s29+$0x0] =	vst.idx.add.f32.msk $0xffff, v15;
	v8 =	vmul.f32 v27, v40;
	v15 =	vmul.f32 v35, v40  }
0xea: {  	v22 =	vmul.f32 v37, v42;
	[tilespmem:v7+s25+$0x0] =	vst.idx.add.f32.msk $0xffff, v16;
	v16 =	vmul.f32 v10, v40  }
0xeb: {  	v23 =	vmul.f32 v39, v42;
	[tilespmem:v7+s26+$0x0] =	vst.idx.add.f32.msk $0xffff, v11;
	v11 =	vmul.f32 v28, v42  }
0xec: {  	v24 =	vmul.f32 v41, v44;
	[tilespmem:v7+s28+$0x0] =	vst.idx.add.f32.msk $0xffff, v17;
	v17 =	vmul.f32 v9, v42  }
0xed: {  	v10 =	vmul.f32 v43, v44;
	[tilespmem:v7+s29+$0x0] =	vst.idx.add.f32.msk $0xffff, v18;
	v7 =	vmul.f32 v30, v44  }
0xee: {  	v9 =	vmul.f32 v14, v44;
	[tilespmem:v6+s25+$0x0] =	vst.idx.add.f32.msk $0xffff, v19  }
0xef: {  	[tilespmem:v6+s26+$0x0] =	vst.idx.add.f32.msk $0xffff, v13  }
0xf0: {  	[tilespmem:v6+s28+$0x0] =	vst.idx.add.f32.msk $0xffff, v20  }
0xf1: {  	[tilespmem:v6+s29+$0x0] =	vst.idx.add.f32.msk $0xffff, v12  }
0xf2: {  	[tilespmem:v5+s25+$0x0] =	vst.idx.add.f32.msk $0xffff, v21  }
0xf3: {  	[tilespmem:v5+s26+$0x0] =	vst.idx.add.f32.msk $0xffff, v8  }
0xf4: {  	[tilespmem:v5+s28+$0x0] =	vst.idx.add.f32.msk $0xffff, v15  }
0xf5: {  	[tilespmem:v5+s29+$0x0] =	vst.idx.add.f32.msk $0xffff, v16  }
0xf6: {  	[tilespmem:v4+s25+$0x0] =	vst.idx.add.f32.msk $0xffff, v22  }
.Ltmp7:
0xf7: {  	[tilespmem:v4+s26+$0x0] =	vst.idx.add.f32.msk $0xffff, v11;
	(pc) =	sbr.rel @p0 .LBB2_10-.Ltmp7, $4  }
0xf8: {  	[tilespmem:v4+s28+$0x0] =	vst.idx.add.f32.msk $0xffff, v23  }
0xf9: {  	[tilespmem:v4+s29+$0x0] =	vst.idx.add.f32.msk $0xffff, v17  }
0xfa: {  	[tilespmem:v3+s25+$0x0] =	vst.idx.add.f32.msk $0xffff, v24  }
0xfb: {  	s9 =	sadd.s32 $0x80, s9;
	[tilespmem:v3+s26+$0x0] =	vst.idx.add.f32.msk $0xffff, v7  }
0xfc: {  	_ = 	snop  }
.Ltmp8:
0xfd: {  	_ = 	snop;
	(pc) =	sbr.rel .LBB2_12-.Ltmp8, $3  }
0xfe: {  	_ =	sdelay $0x1  }
0xff: {  	[tilespmem:v3+s28+$0x0] =	vst.idx.add.f32.msk $0xffff, v10  }
0x100: {  	[tilespmem:v3+s29+$0x0] =	vst.idx.add.f32.msk $0xffff, v9  }
.LBB2_6:
0x101: {  	s9 =	simm.s32 @p0 $0x19140  }
0x102: {  	v4 =	vld [tilespmem:s9+$0x30]  }
0x103: {  	v5 =	vld [tilespmem:s9+$0xFFFFFFC0]  }
0x104: {  	v6 =	vld [tilespmem:s9+$0xFFFFFFD0]  }
0x105: {  	v7 =	vld [tilespmem:s9+$0xFFFFFFE0]  }
0x106: {  	v9 =	vld [tilespmem:s9+$0xFFFFFFF0]  }
0x107: {  	v10 =	vld [tilespmem:s9+$0x0]  }
0x108: {  	v12 =	vld [tilespmem:s9+$0x10]  }
0x109: {  	s12 =	simm.s32 @p0 $0x1A140;
	v3 =	vld [tilespmem:s9+$0x20]  }
0x10a: {  	v16 =	vld [tilespmem:s12+$0x30]  }
0x10b: {  	v53 =	vld [tilespmem:s12+$0xFFFFFFC0]  }
0x10c: {  	v25 =	vld [tilespmem:s12+$0xFFFFFFD0]  }
0x10d: {  	v26 =	vld [tilespmem:s12+$0xFFFFFFE0];
	v8 =	vand.u32 $0xFFFF, v4  }
0x10e: {  	v28 =	vld [tilespmem:s12+$0xFFFFFFF0]  }
0x10f: {  	v29 =	vld [tilespmem:s12+$0x0];
	v11 =	vand.u32 $0xFFFF, v5  }
0x110: {  	v30 =	vld [tilespmem:s12+$0x10]  }
0x111: {  	v33 =	vld [tilespmem:s12+$0x20];
	v13 =	vand.u32 $0xFFFF, v6  }
0x112: {  	s6 =	smov.u32 s13;
	v14 =	vld.idx.msk [tilespmem:v8+s2+$0x0], $0xffff  }
0x113: {  	s6 =	smov.u32 @p0 s13;
	v17 =	vand.u32 $0xFFFF, v7;
	v8 =	vld.idx.msk [tilespmem:v8+s17+$0x0], $0xffff  }
0x114: {  	v15 =	vor.u32 s6, v0;
	v45 =	vld.idx.msk [tilespmem:v11+s2+$0x0], $0xffff  }
0x115: {  	vm2 =	vge.s32 v15, v1;
	vm3 =	vlt.s32 v15, v2;
	v21 =	vand.u32 $0xFFFF, v9;
	v11 =	vld.idx.msk [tilespmem:v11+s17+$0x0], $0xffff  }
0x116: {  	vm2 =	vmand vm2, vm3;
	v47 =	vand.u32 $0xFFFF, v10;
	v18 =	vld.idx.msk [tilespmem:v13+s2+$0x0], $0xffff  }
0x117: {  	v4 =	vshra.s32 v4, $0x10;
	v13 =	vld.idx.msk [tilespmem:v13+s17+$0x0], $0xffff  }
0x118: {  	v20 =	vld.idx.msk [tilespmem:v17+s2+$0x0], $0xffff  }
0x119: {  	v17 =	vld.idx.msk [tilespmem:v17+s17+$0x0], $0xffff;
	v19 =	vshll.u32 v14, $0x10  }
0x11a: {  	v49 =	vld.idx.msk [tilespmem:v21+s17+$0x0], $0xffff;
	v14 =	vand.u32 $0xFFFF0000, v14;
	v19 =	vmul.f32 v19, v16  }
0x11b: {  	v50 =	vld.idx.msk [tilespmem:v47+s2+$0x0], $0xffff;
	v22 =	vshll.u32 v8, $0x10;
	v14 =	vmul.f32 v14, v16  }
0x11c: {  	v48 =	vand.u32 $0xFFFF, v12;
	v8 =	vand.u32 $0xFFFF0000, v8;
	v46 =	vmul.f32 v22, v16;
	[tilespmem:v4+s25+$0x0] =	vst.idx.add.f32.msk vm2, v19  }
0x11d: {  	s15 =	sadd.s32 $0xFFFFFFF9, s6;
	v8 =	vmul.f32 v8, v16;
	[tilespmem:v4+s26+$0x0] =	vst.idx.add.f32.msk vm2, v14  }
0x11e: {  	v24 =	vor.u32 s15, v0;
	[tilespmem:v4+s28+$0x0] =	vst.idx.add.f32.msk vm2, v46  }
0x11f: {  	s16 =	sadd.s32 $0xFFFFFFFA, s6;
	vm3 =	vlt.s32 v24, v2;
	[tilespmem:v4+s29+$0x0] =	vst.idx.add.f32.msk vm2, v8;
	v8 =	vand.u32 $0xFFFF, v3;
	vm2 =	vge.s32 v24, v1  }
0x120: {  	v27 =	vor.u32 s16, v0;
	v51 =	vld.idx.msk [tilespmem:v47+s17+$0x0], $0xffff;
	vm2 =	vmand vm2, vm3  }
0x121: {  	s20 =	sadd.s32 $0xFFFFFFFB, s6;
	s21 =	sadd.s32 $0xFFFFFFFC, s6;
	vm4 =	vlt.s32 v27, v2;
	v5 =	vshra.s32 v5, $0x10;
	v52 =	vld.idx.msk [tilespmem:v48+s2+$0x0], $0xffff;
	vm3 =	vge.s32 v27, v1  }
0x122: {  	v31 =	vor.u32 s20, v0;
	v58 =	vor.u32 s21, v0;
	v14 =	vld.idx.msk [tilespmem:v48+s17+$0x0], $0xffff;
	vm3 =	vmand vm3, vm4  }
0x123: {  	vm10 =	vge.s32 v31, v1;
	v6 =	vshra.s32 v6, $0x10;
	v54 =	vshll.u32 v45, $0x10;
	v4 =	vld.idx.msk [tilespmem:v21+s2+$0x0], $0xffff  }
0x124: {  	vm5 =	vlt.s32 v31, v2;
	v15 =	vand.u32 $0xFFFF0000, v45;
	v27 =	vmul.f32 v54, v53;
	v23 =	vld.idx.msk [tilespmem:v8+s2+$0x0], $0xffff  }
0x125: {  	vm11 =	vlt.s32 v58, v2;
	v55 =	vshll.u32 v18, $0x10;
	v15 =	vmul.f32 v15, v53;
	v8 =	vld.idx.msk [tilespmem:v8+s17+$0x0], $0xffff  }
0x126: {  	v7 =	vshra.s32 v7, $0x10;
	v32 =	vshll.u32 v11, $0x10;
	v57 =	vmul.f32 v55, v25;
	[tilespmem:v5+s25+$0x0] =	vst.idx.add.f32.msk vm2, v27  }
0x127: {  	v11 =	vand.u32 $0xFFFF0000, v11;
	v32 =	vmul.f32 v32, v53;
	vm4 =	vmand vm10, vm5;
	[tilespmem:v5+s26+$0x0] =	vst.idx.add.f32.msk vm2, v15  }
0x128: {  	v9 =	vshra.s32 v9, $0x10;
	v56 =	vand.u32 $0xFFFF0000, v18;
	v11 =	vmul.f32 v11, v53;
	[tilespmem:v6+s25+$0x0] =	vst.idx.add.f32.msk vm3, v57  }
0x129: {  	v10 =	vshra.s32 v10, $0x10;
	v59 =	vshll.u32 v13, $0x10;
	v15 =	vmul.f32 v56, v25;
	[tilespmem:v5+s28+$0x0] =	vst.idx.add.f32.msk vm2, v32  }
0x12a: {  	v12 =	vshra.s32 v12, $0x10;
	v60 =	vshll.u32 v20, $0x10;
	[tilespmem:v5+s29+$0x0] =	vst.idx.add.f32.msk vm2, v11;
	v11 =	vmul.f32 v59, v25  }
0x12b: {  	v5 =	vand.u32 $0xFFFF0000, v13;
	vm2 =	vge.s32 v58, v1;
	[tilespmem:v6+s26+$0x0] =	vst.idx.add.f32.msk vm3, v15;
	v13 =	vmul.f32 v60, v26  }
0x12c: {  	s23 =	sadd.s32 $0xFFFFFFFD, s6;
	v61 =	vand.u32 $0xFFFF0000, v20;
	v5 =	vmul.f32 v5, v25;
	vm2 =	vmand vm2, vm11;
	[tilespmem:v6+s28+$0x0] =	vst.idx.add.f32.msk vm3, v11  }
0x12d: {  	v62 =	vshll.u32 v17, $0x10;
	v15 =	vmul.f32 v61, v26;
	v11 =	vor.u32 s23, v0;
	[tilespmem:v7+s25+$0x0] =	vst.idx.add.f32.msk vm4, v13  }
0x12e: {  	[tilespmem:v6+s29+$0x0] =	vst.idx.add.f32.msk vm3, v5;
	v5 =	vand.u32 $0xFFFF0000, v17;
	vm3 =	vge.s32 v11, v1;
	v6 =	vmul.f32 v62, v26  }
0x12f: {  	vm12 =	vlt.s32 v11, v2;
	v11 =	vshll.u32 v4, $0x10;
	[tilespmem:v7+s26+$0x0] =	vst.idx.add.f32.msk vm4, v15;
	v5 =	vmul.f32 v5, v26  }
0x130: {  	s24 =	sadd.s32 $0xFFFFFFFE, s6;
	v4 =	vand.u32 $0xFFFF0000, v4;
	vm3 =	vmand vm3, vm12;
	v11 =	vmul.f32 v11, v28;
	[tilespmem:v7+s28+$0x0] =	vst.idx.add.f32.msk vm4, v6  }
0x131: {  	v63 =	vshll.u32 v49, $0x10;
	v4 =	vmul.f32 v4, v28;
	v6 =	vor.u32 s24, v0;
	[tilespmem:v7+s29+$0x0] =	vst.idx.add.f32.msk vm4, v5  }
0x132: {  	vm13 =	vge.s32 v6, v1;
	v5 =	vand.u32 $0xFFFF0000, v49;
	v7 =	vmul.f32 v63, v28;
	[tilespmem:v9+s25+$0x0] =	vst.idx.add.f32.msk vm2, v11  }
0x133: {  	vm14 =	vlt.s32 v6, v2;
	v6 =	vshll.u32 v50, $0x10;
	v5 =	vmul.f32 v5, v28;
	[tilespmem:v9+s26+$0x0] =	vst.idx.add.f32.msk vm2, v4  }
0x134: {  	s31 =	sadd.s32 $0xFFFFFFFF, s6;
	vm4 =	vmand vm13, vm14;
	v6 =	vmul.f32 v6, v29;
	v4 =	vand.u32 $0xFFFF0000, v50;
	[tilespmem:v9+s28+$0x0] =	vst.idx.add.f32.msk vm2, v7  }
0x135: {  	v11 =	vshll.u32 v51, $0x10;
	v7 =	vor.u32 s31, v0;
	v4 =	vmul.f32 v4, v29;
	[tilespmem:v9+s29+$0x0] =	vst.idx.add.f32.msk vm2, v5  }
0x136: {  	vm2 =	vge.s32 v7, v1;
	v5 =	vand.u32 $0xFFFF0000, v51;
	v9 =	vmul.f32 v11, v29;
	[tilespmem:v10+s25+$0x0] =	vst.idx.add.f32.msk vm3, v6  }
0x137: {  	vm15 =	vlt.s32 v7, v2;
	v6 =	vshll.u32 v52, $0x10;
	v5 =	vmul.f32 v5, v29;
	[tilespmem:v10+s26+$0x0] =	vst.idx.add.f32.msk vm3, v4  }
0x138: {  	s14 =	simm.s32 @p0 $0xFFFFFF80;
	vm2 =	vmand vm2, vm15;
	v4 =	vand.u32 $0xFFFF0000, v52;
	v6 =	vmul.f32 v6, v30;
	[tilespmem:v10+s28+$0x0] =	vst.idx.add.f32.msk vm3, v9  }
0x139: {  	s14 =	sadd.s32 $0x80, s14;
	v7 =	vshra.s32 v3, $0x10;
	v3 =	vshll.u32 v14, $0x10;
	v4 =	vmul.f32 v4, v30;
	[tilespmem:v10+s29+$0x0] =	vst.idx.add.f32.msk vm3, v5  }
0x13a: {  	p0 =	slt.u32 s14, $0xF80;
	v3 =	vmul.f32 v3, v30;
	v5 =	vand.u32 $0xFFFF0000, v14;
	[tilespmem:v12+s25+$0x0] =	vst.idx.add.f32.msk vm4, v6  }
.Ltmp9:
0x13b: {  	v6 =	vshll.u32 v23, $0x10;
	v5 =	vmul.f32 v5, v30;
	[tilespmem:v12+s26+$0x0] =	vst.idx.add.f32.msk vm4, v4;
	(pc) =	sbr.rel @!p0 .LBB2_8-.Ltmp9, $4  }
0x13c: {  	v4 =	vand.u32 $0xFFFF0000, v23;
	v6 =	vmul.f32 v6, v33;
	[tilespmem:v12+s28+$0x0] =	vst.idx.add.f32.msk vm4, v3  }
0x13d: {  	v3 =	vmul.f32 v4, v33;
	[tilespmem:v12+s29+$0x0] =	vst.idx.add.f32.msk vm4, v5  }
0x13e: {  	v4 =	vshll.u32 v8, $0x10;
	v5 =	vand.u32 $0xFFFF0000, v8;
	[tilespmem:v7+s25+$0x0] =	vst.idx.add.f32.msk vm2, v6  }
0x13f: {  	s9 =	sadd.s32 $0x80, s9;
	v11 =	vmul.f32 v4, v33;
	v10 =	vmul.f32 v5, v33;
	[tilespmem:v7+s26+$0x0] =	vst.idx.add.f32.msk vm2, v3  }
.LBB2_7:
0x140: {  	v12 =	vld [tilespmem:s9+$0x30]  }
0x141: {  	v3 =	vld [tilespmem:s9+$0xFFFFFFC0]  }
0x142: {  	v4 =	vld [tilespmem:s9+$0xFFFFFFD0]  }
0x143: {  	s14 =	sadd.s32 $0x80, s14;
	v5 =	vld [tilespmem:s9+$0xFFFFFFE0]  }
0x144: {  	p0 =	slt.u32 s14, $0xF80;
	v13 =	vld [tilespmem:s9+$0xFFFFFFF0]  }
0x145: {  	v14 =	vld [tilespmem:s9+$0x0];
	v15 =	vand.u32 $0xFFFF, v12  }
0x146: {  	v9 =	vshra.s32 v3, $0x10;
	v16 =	vand.u32 $0xFFFF, v3;
	v17 =	vld [tilespmem:s9+$0x10]  }
0x147: {  	v8 =	vshra.s32 v4, $0x10;
	v18 =	vand.u32 $0xFFFF, v4;
	v19 =	vld [tilespmem:s9+$0x20]  }
0x148: {  	v6 =	vshra.s32 v5, $0x10;
	v20 =	vand.u32 $0xFFFF, v5;
	[tilespmem:v7+s28+$0x0] =	vst.idx.add.f32.msk vm2, v11  }
0x149: {  	v5 =	vshra.s32 v13, $0x10;
	v11 =	vand.u32 $0xFFFF, v13;
	[tilespmem:v7+s29+$0x0] =	vst.idx.add.f32.msk vm2, v10  }
0x14a: {  	s6 =	sadd.s32 $0x8, s6;
	s12 =	sadd.s32 $0x80, s12;
	v3 =	vshra.s32 v14, $0x10;
	v7 =	vand.u32 $0xFFFF, v14;
	v10 =	vld.idx.msk [tilespmem:v15+s2+$0x0], $0xffff  }
0x14b: {  	s15 =	sadd.s32 $0xFFFFFFFA, s6;
	s31 =	sadd.s32 $0xFFFFFFFB, s6;
	s23 =	sadd.s32 $0xFFFFFFFC, s6;
	v14 =	vor.u32 s6, v0;
	v4 =	vshra.s32 v17, $0x10;
	v13 =	vand.u32 $0xFFFF, v17;
	v17 =	vld [tilespmem:s12+$0x30]  }
0x14c: {  	s24 =	sadd.s32 $0xFFFFFFFD, s6;
	s20 =	sadd.s32 $0xFFFFFFFE, s6;
	s21 =	sadd.s32 $0xFFFFFFFF, s6;
	vm2 =	vge.s32 v14, v1;
	vm3 =	vlt.s32 v14, v2;
	v21 =	vand.u32 $0xFFFF, v19;
	v14 =	vld.idx.msk [tilespmem:v15+s17+$0x0], $0xffff  }
0x14d: {  	s16 =	sadd.s32 $0xFFFFFFF9, s6;
	v22 =	vor.u32 s15, v0;
	v23 =	vor.u32 s31, v0;
	vm6 =	vmand vm2, vm3;
	v15 =	vld.idx.msk [tilespmem:v16+s2+$0x0], $0xffff  }
0x14e: {  	v24 =	vor.u32 s16, v0;
	v25 =	vor.u32 s23, v0;
	v12 =	vshra.s32 v12, $0x10;
	v16 =	vld.idx.msk [tilespmem:v16+s17+$0x0], $0xffff  }
0x14f: {  	v27 =	vor.u32 s24, v0;
	v28 =	vor.u32 s20, v0;
	v29 =	vor.u32 s21, v0;
	v26 =	vld.idx.msk [tilespmem:v18+s2+$0x0], $0xffff  }
0x150: {  	vm4 =	vlt.s32 v24, v2;
	vm2 =	vge.s32 v24, v1;
	v24 =	vshll.u32 v10, $0x10;
	v18 =	vld.idx.msk [tilespmem:v18+s17+$0x0], $0xffff  }
0x151: {  	vm3 =	vge.s32 v22, v1;
	v10 =	vand.u32 $0xFFFF0000, v10;
	v24 =	vmul.f32 v24, v17;
	v30 =	vld.idx.msk [tilespmem:v20+s2+$0x0], $0xffff  }
0x152: {  	vm5 =	vlt.s32 v22, v2;
	v10 =	vmul.f32 v10, v17;
	v22 =	vshll.u32 v14, $0x10;
	v20 =	vld.idx.msk [tilespmem:v20+s17+$0x0], $0xffff  }
0x153: {  	v14 =	vand.u32 $0xFFFF0000, v14;
	v31 =	vshll.u32 v15, $0x10;
	v22 =	vmul.f32 v22, v17;
	[tilespmem:v12+s25+$0x0] =	vst.idx.add.f32.msk vm6, v24  }
0x154: {  	v15 =	vand.u32 $0xFFFF0000, v15;
	v24 =	vshll.u32 v16, $0x10;
	[tilespmem:v12+s26+$0x0] =	vst.idx.add.f32.msk vm6, v10;
	v10 =	vmul.f32 v14, v17  }
0x155: {  	v14 =	vand.u32 $0xFFFF0000, v16;
	v16 =	vshll.u32 v26, $0x10;
	v17 =	vand.u32 $0xFFFF0000, v26;
	[tilespmem:v12+s28+$0x0] =	vst.idx.add.f32.msk vm6, v22  }
0x156: {  	vm9 =	vge.s32 v23, v1;
	v22 =	vshll.u32 v18, $0x10;
	v18 =	vand.u32 $0xFFFF0000, v18;
	[tilespmem:v12+s29+$0x0] =	vst.idx.add.f32.msk vm6, v10  }
0x157: {  	vm6 =	vlt.s32 v23, v2;
	v10 =	vshll.u32 v30, $0x10;
	v12 =	vand.u32 $0xFFFF0000, v30;
	v23 =	vld.idx.msk [tilespmem:v11+s2+$0x0], $0xffff  }
0x158: {  	vm10 =	vge.s32 v25, v1;
	v26 =	vshll.u32 v20, $0x10;
	v20 =	vand.u32 $0xFFFF0000, v20;
	v11 =	vld.idx.msk [tilespmem:v11+s17+$0x0], $0xffff  }
0x159: {  	vm11 =	vlt.s32 v25, v2;
	vm12 =	vge.s32 v27, v1;
	vm13 =	vlt.s32 v27, v2;
	v25 =	vld.idx.msk [tilespmem:v7+s2+$0x0], $0xffff  }
0x15a: {  	vm14 =	vge.s32 v28, v1;
	vm15 =	vlt.s32 v28, v2;
	vm0 =	vge.s32 v29, v1;
	v27 =	vld.idx.msk [tilespmem:v7+s17+$0x0], $0xffff  }
0x15b: {  	vm8 =	vmand vm2, vm4;
	vm2 =	vlt.s32 v29, v2;
	v7 =	vshra.s32 v19, $0x10;
	v28 =	vld.idx.msk [tilespmem:v13+s2+$0x0], $0xffff  }
0x15c: {  	vm7 =	vmand vm3, vm5;
	vm5 =	vmand vm10, vm11;
	vm6 =	vmand vm9, vm6;
	v13 =	vld.idx.msk [tilespmem:v13+s17+$0x0], $0xffff  }
0x15d: {  	vm4 =	vmand vm12, vm13;
	v19 =	vshll.u32 v23, $0x10;
	v23 =	vand.u32 $0xFFFF0000, v23;
	v29 =	vld.idx.msk [tilespmem:v21+s2+$0x0], $0xffff  }
0x15e: {  	vm3 =	vmand vm14, vm15;
	v30 =	vshll.u32 v11, $0x10;
	v11 =	vand.u32 $0xFFFF0000, v11;
	v21 =	vld.idx.msk [tilespmem:v21+s17+$0x0], $0xffff  }
0x15f: {  	vm2 =	vmand vm0, vm2;
	v33 =	vshll.u32 v25, $0x10;
	v25 =	vand.u32 $0xFFFF0000, v25;
	v32 =	vld [tilespmem:s12+$0xFFFFFFC0]  }
0x160: {  	v35 =	vshll.u32 v27, $0x10;
	v27 =	vand.u32 $0xFFFF0000, v27;
	v34 =	vld [tilespmem:s12+$0xFFFFFFD0]  }
0x161: {  	v37 =	vshll.u32 v28, $0x10;
	v28 =	vand.u32 $0xFFFF0000, v28;
	v36 =	vld [tilespmem:s12+$0xFFFFFFE0]  }
0x162: {  	v39 =	vshll.u32 v13, $0x10;
	v13 =	vand.u32 $0xFFFF0000, v13;
	v38 =	vld [tilespmem:s12+$0xFFFFFFF0]  }
0x163: {  	v41 =	vshll.u32 v29, $0x10;
	v29 =	vand.u32 $0xFFFF0000, v29;
	v40 =	vld [tilespmem:s12+$0x0]  }
0x164: {  	v43 =	vshll.u32 v21, $0x10;
	v21 =	vand.u32 $0xFFFF0000, v21;
	v31 =	vmul.f32 v31, v32;
	v42 =	vld [tilespmem:s12+$0x10]  }
0x165: {  	v15 =	vmul.f32 v15, v32;
	v24 =	vmul.f32 v24, v32;
	v44 =	vld [tilespmem:s12+$0x20]  }
0x166: {  	v14 =	vmul.f32 v14, v32;
	v16 =	vmul.f32 v16, v34;
	[tilespmem:v9+s25+$0x0] =	vst.idx.add.f32.msk vm8, v31  }
0x167: {  	[tilespmem:v9+s26+$0x0] =	vst.idx.add.f32.msk vm8, v15;
	v15 =	vmul.f32 v17, v34;
	v17 =	vmul.f32 v22, v34  }
0x168: {  	v18 =	vmul.f32 v18, v34;
	v10 =	vmul.f32 v10, v36;
	[tilespmem:v9+s28+$0x0] =	vst.idx.add.f32.msk vm8, v24  }
0x169: {  	[tilespmem:v9+s29+$0x0] =	vst.idx.add.f32.msk vm8, v14;
	v9 =	vmul.f32 v12, v36;
	v12 =	vmul.f32 v26, v36  }
0x16a: {  	v14 =	vmul.f32 v20, v36;
	[tilespmem:v8+s25+$0x0] =	vst.idx.add.f32.msk vm7, v16;
	v16 =	vmul.f32 v19, v38  }
0x16b: {  	v19 =	vmul.f32 v30, v38;
	[tilespmem:v8+s26+$0x0] =	vst.idx.add.f32.msk vm7, v15;
	v15 =	vmul.f32 v23, v38  }
0x16c: {  	v20 =	vmul.f32 v33, v40;
	[tilespmem:v8+s28+$0x0] =	vst.idx.add.f32.msk vm7, v17;
	v17 =	vmul.f32 v11, v38  }
0x16d: {  	[tilespmem:v8+s29+$0x0] =	vst.idx.add.f32.msk vm7, v18;
	v8 =	vmul.f32 v25, v40;
	v18 =	vmul.f32 v35, v40  }
0x16e: {  	v22 =	vmul.f32 v27, v40;
	v23 =	vmul.f32 v37, v42;
	[tilespmem:v6+s25+$0x0] =	vst.idx.add.f32.msk vm6, v10  }
0x16f: {  	v24 =	vmul.f32 v39, v42;
	[tilespmem:v6+s26+$0x0] =	vst.idx.add.f32.msk vm6, v9;
	v9 =	vmul.f32 v28, v42  }
0x170: {  	[tilespmem:v6+s28+$0x0] =	vst.idx.add.f32.msk vm6, v12;
	v12 =	vmul.f32 v13, v42;
	v13 =	vmul.f32 v41, v44  }
0x171: {  	v11 =	vmul.f32 v43, v44;
	[tilespmem:v6+s29+$0x0] =	vst.idx.add.f32.msk vm6, v14;
	v6 =	vmul.f32 v29, v44  }
0x172: {  	v10 =	vmul.f32 v21, v44;
	[tilespmem:v5+s25+$0x0] =	vst.idx.add.f32.msk vm5, v16  }
0x173: {  	[tilespmem:v5+s26+$0x0] =	vst.idx.add.f32.msk vm5, v15  }
0x174: {  	[tilespmem:v5+s28+$0x0] =	vst.idx.add.f32.msk vm5, v19  }
0x175: {  	[tilespmem:v5+s29+$0x0] =	vst.idx.add.f32.msk vm5, v17  }
0x176: {  	[tilespmem:v3+s25+$0x0] =	vst.idx.add.f32.msk vm4, v20  }
0x177: {  	[tilespmem:v3+s26+$0x0] =	vst.idx.add.f32.msk vm4, v8  }
0x178: {  	[tilespmem:v3+s28+$0x0] =	vst.idx.add.f32.msk vm4, v18  }
0x179: {  	[tilespmem:v3+s29+$0x0] =	vst.idx.add.f32.msk vm4, v22  }
0x17a: {  	[tilespmem:v4+s25+$0x0] =	vst.idx.add.f32.msk vm3, v23  }
.Ltmp10:
0x17b: {  	[tilespmem:v4+s26+$0x0] =	vst.idx.add.f32.msk vm3, v9;
	(pc) =	sbr.rel @p0 .LBB2_7-.Ltmp10, $4  }
0x17c: {  	[tilespmem:v4+s28+$0x0] =	vst.idx.add.f32.msk vm3, v24  }
0x17d: {  	[tilespmem:v4+s29+$0x0] =	vst.idx.add.f32.msk vm3, v12  }
0x17e: {  	[tilespmem:v7+s25+$0x0] =	vst.idx.add.f32.msk vm2, v13  }
0x17f: {  	s9 =	sadd.s32 $0x80, s9;
	[tilespmem:v7+s26+$0x0] =	vst.idx.add.f32.msk vm2, v6  }
.LBB2_8:
0x180: {  	_ =	sdelay $0x4  }
0x181: {  	[tilespmem:v7+s28+$0x0] =	vst.idx.add.f32.msk vm2, v11  }
0x182: {  	s24 =	simm.s32 $0x19100;
	s31 =	simm.s32 $0x1A100;
	[tilespmem:v7+s29+$0x0] =	vst.idx.add.f32.msk vm2, v10  }
.LBB2_12:
0x183: {  	_ =	swait.ge [sflag:s30], $0x1000  }
0x184: {  	s6 =	sadd.s32 s11, s5;
	[sflag:s30] =	ssyncset.done $0x0  }
0x185: {  	p0 =	slt.s32 s6, $0x187000;
	[sflag:s30] =	ssyncadd.s32 $0xFFFFF000  }
0x186: {  	s6 =	simm.s32 @!p0 $0x187000;
	_ =	swait.ge [sflag:s30], $0x1000  }
0x187: {  	s6 =	sshrl.u32 s6, $0x3;
	[sflag:s30] =	ssyncset.done $0x0  }
0x188: {  	s9 =	sadd.s32 s3, s6;
	[sflag:s30] =	ssyncadd.s32 $0xFFFFF000  }
0x189: {  	[tilespmem:s24], [sflag:$0x1] =	stream.linear.gather [hbm4b:s9+s2], $0x1000, $0x38;
	[tilespmem:$0x1D400] =	vst v63  }
0x18a: {  	s23 =	sand.u32 $0xFFFFE000, s10;
	s6 =	sadd.s32 s4, s6  }
0x18b: {  	[tilespmem:s31], [sflag:$0x1] =	stream.linear.gather [hbm4b:s6+s2], $0x1000, $0x38;
	[tilespmem:$0x1D400] =	vst v63  }
0x18c: {  	p0 =	slt.s32 s23, s0;
	s6 =	sadd.s32 $0x2000, s23  }
0x18d: {  	p1 =	sgt.s32 @!p0 s6, s18  }
0x18e: {  	p1 =	por p0, p1  }
.Ltmp11:
0x18f: {  	_ = 	snop;
	(pc) =	sbr.rel @p1 .LBB2_13-.Ltmp11, $2  }
0x190: {  	_ =	sdelay $0x2  }
0x191: {  	s11 =	simm.s32 $0xFFFFFF80;
	s10 =	simm.s32 $0x1C140;
	s9 =	simm.s32 $0x1B140  }
0x192: {  	v3 =	vld [tilespmem:s9+$0x30]  }
0x193: {  	v4 =	vld [tilespmem:s9+$0xFFFFFFD0]  }
0x194: {  	v5 =	vld [tilespmem:s9+$0xFFFFFFE0]  }
0x195: {  	v6 =	vld [tilespmem:s9+$0xFFFFFFF0]  }
0x196: {  	v8 =	vld [tilespmem:s9+$0x0]  }
0x197: {  	v9 =	vld [tilespmem:s9+$0xFFFFFFC0]  }
0x198: {  	v10 =	vld [tilespmem:s9+$0x10]  }
0x199: {  	v12 =	vld [tilespmem:s9+$0x20]  }
0x19a: {  	v15 =	vld [tilespmem:s10+$0x30]  }
0x19b: {  	v24 =	vld [tilespmem:s10+$0xFFFFFFC0]  }
0x19c: {  	v25 =	vld [tilespmem:s10+$0xFFFFFFD0]  }
0x19d: {  	v26 =	vld [tilespmem:s10+$0xFFFFFFE0];
	v7 =	vand.u32 $0xFFFF, v3  }
0x19e: {  	v27 =	vld [tilespmem:s10+$0xFFFFFFF0]  }
0x19f: {  	v29 =	vld [tilespmem:s10+$0x0];
	v11 =	vand.u32 $0xFFFF, v4  }
0x1a0: {  	v30 =	vld [tilespmem:s10+$0x10]  }
0x1a1: {  	v32 =	vld [tilespmem:s10+$0x20];
	v13 =	vand.u32 $0xFFFF, v5  }
0x1a2: {  	v14 =	vld.idx.msk [tilespmem:v7+s2+$0x0], $0xffff  }
0x1a3: {  	v16 =	vand.u32 $0xFFFF, v9;
	v7 =	vld.idx.msk [tilespmem:v7+s17+$0x0], $0xffff  }
0x1a4: {  	v17 =	vld.idx.msk [tilespmem:v11+s2+$0x0], $0xffff  }
0x1a5: {  	v21 =	vand.u32 $0xFFFF, v6;
	v11 =	vld.idx.msk [tilespmem:v11+s17+$0x0], $0xffff  }
0x1a6: {  	v49 =	vand.u32 $0xFFFF, v8;
	v18 =	vld.idx.msk [tilespmem:v13+s2+$0x0], $0xffff  }
0x1a7: {  	v13 =	vld.idx.msk [tilespmem:v13+s17+$0x0], $0xffff  }
0x1a8: {  	v50 =	vand.u32 $0xFFFF, v10;
	v20 =	vld.idx.msk [tilespmem:v16+s2+$0x0], $0xffff  }
0x1a9: {  	v51 =	vand.u32 $0xFFFF, v12;
	v16 =	vld.idx.msk [tilespmem:v16+s17+$0x0], $0xffff  }
0x1aa: {  	v3 =	vshra.s32 v3, $0x10;
	v52 =	vld.idx.msk [tilespmem:v21+s17+$0x0], $0xffff  }
0x1ab: {  	v9 =	vshra.s32 v9, $0x10;
	v53 =	vld.idx.msk [tilespmem:v49+s2+$0x0], $0xffff  }
0x1ac: {  	v4 =	vshra.s32 v4, $0x10;
	v54 =	vld.idx.msk [tilespmem:v49+s17+$0x0], $0xffff;
	v19 =	vshll.u32 v14, $0x10  }
0x1ad: {  	v55 =	vld.idx.msk [tilespmem:v50+s2+$0x0], $0xffff;
	v28 =	vshll.u32 v20, $0x10;
	v19 =	vmul.f32 v19, v15  }
0x1ae: {  	v23 =	vld.idx.msk [tilespmem:v51+s2+$0x0], $0xffff;
	v56 =	vshll.u32 v17, $0x10;
	v28 =	vmul.f32 v28, v24  }
0x1af: {  	v14 =	vand.u32 $0xFFFF0000, v14;
	v57 =	vmul.f32 v56, v25;
	[tilespmem:v3+s25+$0x0] =	vst.idx.add.f32.msk $0xffff, v19  }
0x1b0: {  	v14 =	vmul.f32 v14, v15;
	[tilespmem:v9+s25+$0x0] =	vst.idx.add.f32.msk $0xffff, v28  }
0x1b1: {  	v20 =	vand.u32 $0xFFFF0000, v20;
	[tilespmem:v4+s25+$0x0] =	vst.idx.add.f32.msk $0xffff, v57  }
0x1b2: {  	v17 =	vand.u32 $0xFFFF0000, v17;
	v20 =	vmul.f32 v20, v24;
	[tilespmem:v3+s26+$0x0] =	vst.idx.add.f32.msk $0xffff, v14  }
0x1b3: {  	v22 =	vshll.u32 v7, $0x10;
	v17 =	vmul.f32 v17, v25;
	v14 =	vld.idx.msk [tilespmem:v50+s17+$0x0], $0xffff  }
0x1b4: {  	v31 =	vshll.u32 v16, $0x10;
	v48 =	vmul.f32 v22, v15;
	[tilespmem:v9+s26+$0x0] =	vst.idx.add.f32.msk $0xffff, v20  }
0x1b5: {  	v7 =	vand.u32 $0xFFFF0000, v7;
	v31 =	vmul.f32 v31, v24;
	[tilespmem:v4+s26+$0x0] =	vst.idx.add.f32.msk $0xffff, v17  }
0x1b6: {  	v7 =	vmul.f32 v7, v15;
	[tilespmem:v3+s28+$0x0] =	vst.idx.add.f32.msk $0xffff, v48  }
0x1b7: {  	v16 =	vand.u32 $0xFFFF0000, v16;
	[tilespmem:v9+s28+$0x0] =	vst.idx.add.f32.msk $0xffff, v31  }
0x1b8: {  	v5 =	vshra.s32 v5, $0x10;
	v16 =	vmul.f32 v16, v24;
	[tilespmem:v3+s29+$0x0] =	vst.idx.add.f32.msk $0xffff, v7  }
0x1b9: {  	v58 =	vshll.u32 v11, $0x10;
	v3 =	vld.idx.msk [tilespmem:v21+s2+$0x0], $0xffff  }
0x1ba: {  	v59 =	vshll.u32 v18, $0x10;
	[tilespmem:v9+s29+$0x0] =	vst.idx.add.f32.msk $0xffff, v16;
	v9 =	vand.u32 $0xFFFF0000, v11;
	v11 =	vmul.f32 v58, v25  }
0x1bb: {  	v7 =	vld.idx.msk [tilespmem:v51+s17+$0x0], $0xffff;
	v16 =	vmul.f32 v59, v26  }
0x1bc: {  	v60 =	vand.u32 $0xFFFF0000, v18;
	v9 =	vmul.f32 v9, v25;
	[tilespmem:v4+s28+$0x0] =	vst.idx.add.f32.msk $0xffff, v11  }
0x1bd: {  	v6 =	vshra.s32 v6, $0x10;
	v17 =	vmul.f32 v60, v26;
	v11 =	vshll.u32 v13, $0x10;
	[tilespmem:v5+s25+$0x0] =	vst.idx.add.f32.msk $0xffff, v16  }
0x1be: {  	[tilespmem:v4+s29+$0x0] =	vst.idx.add.f32.msk $0xffff, v9;
	v4 =	vand.u32 $0xFFFF0000, v13;
	v9 =	vmul.f32 v11, v26  }
0x1bf: {  	v8 =	vshra.s32 v8, $0x10;
	[tilespmem:v5+s26+$0x0] =	vst.idx.add.f32.msk $0xffff, v17;
	v4 =	vmul.f32 v4, v26;
	v11 =	vshll.u32 v3, $0x10  }
0x1c0: {  	v3 =	vand.u32 $0xFFFF0000, v3;
	[tilespmem:v5+s28+$0x0] =	vst.idx.add.f32.msk $0xffff, v9;
	v9 =	vshll.u32 v52, $0x10;
	v11 =	vmul.f32 v11, v27  }
0x1c1: {  	v3 =	vmul.f32 v3, v27;
	[tilespmem:v5+s29+$0x0] =	vst.idx.add.f32.msk $0xffff, v4;
	v5 =	vmul.f32 v9, v27;
	v9 =	vshll.u32 v53, $0x10  }
0x1c2: {  	v9 =	vmul.f32 v9, v29;
	[tilespmem:v6+s25+$0x0] =	vst.idx.add.f32.msk $0xffff, v11  }
0x1c3: {  	v4 =	vand.u32 $0xFFFF0000, v52;
	[tilespmem:v6+s26+$0x0] =	vst.idx.add.f32.msk $0xffff, v3  }
0x1c4: {  	v4 =	vmul.f32 v4, v27;
	v3 =	vand.u32 $0xFFFF0000, v53;
	[tilespmem:v8+s25+$0x0] =	vst.idx.add.f32.msk $0xffff, v9  }
0x1c5: {  	[tilespmem:v6+s28+$0x0] =	vst.idx.add.f32.msk $0xffff, v5;
	v5 =	vshra.s32 v10, $0x10;
	v10 =	vshll.u32 v54, $0x10;
	v3 =	vmul.f32 v3, v29  }
0x1c6: {  	[tilespmem:v6+s29+$0x0] =	vst.idx.add.f32.msk $0xffff, v4;
	v4 =	vand.u32 $0xFFFF0000, v54;
	v61 =	vmul.f32 v10, v29  }
0x1c7: {  	v9 =	vshll.u32 v55, $0x10;
	v4 =	vmul.f32 v4, v29;
	[tilespmem:v8+s26+$0x0] =	vst.idx.add.f32.msk $0xffff, v3  }
0x1c8: {  	v9 =	vmul.f32 v9, v30;
	v10 =	vand.u32 $0xFFFF0000, v55;
	v3 =	vshra.s32 v12, $0x10;
	[tilespmem:v8+s28+$0x0] =	vst.idx.add.f32.msk $0xffff, v61  }
0x1c9: {  	v62 =	vshll.u32 v14, $0x10;
	v10 =	vmul.f32 v10, v30;
	[tilespmem:v8+s29+$0x0] =	vst.idx.add.f32.msk $0xffff, v4  }
0x1ca: {  	v6 =	vmul.f32 v62, v30;
	v8 =	vshll.u32 v23, $0x10;
	[tilespmem:v5+s25+$0x0] =	vst.idx.add.f32.msk $0xffff, v9  }
0x1cb: {  	v4 =	vand.u32 $0xFFFF0000, v14;
	v8 =	vmul.f32 v8, v32;
	[tilespmem:v5+s26+$0x0] =	vst.idx.add.f32.msk $0xffff, v10  }
0x1cc: {  	v4 =	vmul.f32 v4, v30;
	v9 =	vand.u32 $0xFFFF0000, v23;
	[tilespmem:v5+s28+$0x0] =	vst.idx.add.f32.msk $0xffff, v6  }
0x1cd: {  	v63 =	vmul.f32 v9, v32;
	[tilespmem:v3+s25+$0x0] =	vst.idx.add.f32.msk $0xffff, v8  }
0x1ce: {  	[tilespmem:v5+s29+$0x0] =	vst.idx.add.f32.msk $0xffff, v4;
	v4 =	vshll.u32 v7, $0x10;
	v5 =	vand.u32 $0xFFFF0000, v7  }
0x1cf: {  	s6 =	sadd.s32 $0x80, s11;
	s9 =	sadd.s32 $0x80, s9;
	[tilespmem:v3+s26+$0x0] =	vst.idx.add.f32.msk $0xffff, v63;
	v10 =	vmul.f32 v4, v32;
	v9 =	vmul.f32 v5, v32  }
.LBB2_17:
0x1d0: {  	v11 =	vld [tilespmem:s9+$0x30]  }
0x1d1: {  	v4 =	vld [tilespmem:s9+$0xFFFFFFD0]  }
0x1d2: {  	v5 =	vld [tilespmem:s9+$0xFFFFFFE0]  }
0x1d3: {  	s6 =	sadd.s32 $0x80, s6;
	v12 =	vld [tilespmem:s9+$0xFFFFFFF0]  }
0x1d4: {  	p0 =	slt.u32 s6, $0xF80;
	v13 =	vld [tilespmem:s9+$0x0]  }
0x1d5: {  	v14 =	vld [tilespmem:s9+$0x10];
	v15 =	vand.u32 $0xFFFF, v11  }
0x1d6: {  	v8 =	vshra.s32 v4, $0x10;
	v16 =	vand.u32 $0xFFFF, v4;
	v17 =	vld [tilespmem:s9+$0x20]  }
0x1d7: {  	v18 =	vld [tilespmem:s9+$0xFFFFFFC0];
	v7 =	vshra.s32 v5, $0x10;
	v19 =	vand.u32 $0xFFFF, v5  }
0x1d8: {  	v6 =	vshra.s32 v12, $0x10;
	v12 =	vand.u32 $0xFFFF, v12;
	[tilespmem:v3+s28+$0x0] =	vst.idx.add.f32.msk $0xffff, v10  }
0x1d9: {  	v5 =	vshra.s32 v13, $0x10;
	v10 =	vand.u32 $0xFFFF, v13;
	[tilespmem:v3+s29+$0x0] =	vst.idx.add.f32.msk $0xffff, v9  }
0x1da: {  	s10 =	sadd.s32 $0x80, s10;
	v4 =	vshra.s32 v14, $0x10;
	v9 =	vand.u32 $0xFFFF, v14;
	v13 =	vld.idx.msk [tilespmem:v15+s2+$0x0], $0xffff  }
0x1db: {  	v3 =	vshra.s32 v17, $0x10;
	v14 =	vand.u32 $0xFFFF, v17;
	v17 =	vld [tilespmem:s10+$0x30]  }
0x1dc: {  	v20 =	vshra.s32 v18, $0x10;
	v18 =	vand.u32 $0xFFFF, v18;
	v15 =	vld.idx.msk [tilespmem:v15+s17+$0x0], $0xffff  }
0x1dd: {  	v21 =	vld.idx.msk [tilespmem:v16+s2+$0x0], $0xffff  }
0x1de: {  	v11 =	vshra.s32 v11, $0x10;
	v16 =	vld.idx.msk [tilespmem:v16+s17+$0x0], $0xffff  }
0x1df: {  	v22 =	vld.idx.msk [tilespmem:v19+s2+$0x0], $0xffff  }
0x1e0: {  	v23 =	vshll.u32 v13, $0x10;
	v19 =	vld.idx.msk [tilespmem:v19+s17+$0x0], $0xffff  }
0x1e1: {  	v13 =	vand.u32 $0xFFFF0000, v13;
	v23 =	vmul.f32 v23, v17;
	v24 =	vld.idx.msk [tilespmem:v18+s2+$0x0], $0xffff  }
0x1e2: {  	v13 =	vmul.f32 v13, v17;
	v25 =	vshll.u32 v15, $0x10;
	v18 =	vld.idx.msk [tilespmem:v18+s17+$0x0], $0xffff  }
0x1e3: {  	v15 =	vand.u32 $0xFFFF0000, v15;
	v26 =	vshll.u32 v21, $0x10;
	[tilespmem:v11+s25+$0x0] =	vst.idx.add.f32.msk $0xffff, v23;
	v23 =	vmul.f32 v25, v17  }
0x1e4: {  	v21 =	vand.u32 $0xFFFF0000, v21;
	v25 =	vshll.u32 v16, $0x10;
	[tilespmem:v11+s26+$0x0] =	vst.idx.add.f32.msk $0xffff, v13;
	v13 =	vmul.f32 v15, v17  }
0x1e5: {  	v15 =	vand.u32 $0xFFFF0000, v16;
	v16 =	vshll.u32 v22, $0x10;
	v17 =	vand.u32 $0xFFFF0000, v22;
	[tilespmem:v11+s28+$0x0] =	vst.idx.add.f32.msk $0xffff, v23  }
0x1e6: {  	v22 =	vshll.u32 v19, $0x10;
	v19 =	vand.u32 $0xFFFF0000, v19;
	[tilespmem:v11+s29+$0x0] =	vst.idx.add.f32.msk $0xffff, v13  }
0x1e7: {  	v11 =	vshll.u32 v24, $0x10;
	v13 =	vand.u32 $0xFFFF0000, v24;
	v23 =	vld.idx.msk [tilespmem:v12+s2+$0x0], $0xffff  }
0x1e8: {  	v24 =	vshll.u32 v18, $0x10;
	v18 =	vand.u32 $0xFFFF0000, v18;
	v12 =	vld.idx.msk [tilespmem:v12+s17+$0x0], $0xffff  }
0x1e9: {  	v27 =	vld.idx.msk [tilespmem:v10+s2+$0x0], $0xffff  }
0x1ea: {  	v10 =	vld.idx.msk [tilespmem:v10+s17+$0x0], $0xffff  }
0x1eb: {  	v28 =	vld.idx.msk [tilespmem:v9+s2+$0x0], $0xffff  }
0x1ec: {  	v9 =	vld.idx.msk [tilespmem:v9+s17+$0x0], $0xffff  }
0x1ed: {  	v29 =	vshll.u32 v23, $0x10;
	v23 =	vand.u32 $0xFFFF0000, v23;
	v30 =	vld.idx.msk [tilespmem:v14+s2+$0x0], $0xffff  }
0x1ee: {  	v31 =	vshll.u32 v12, $0x10;
	v12 =	vand.u32 $0xFFFF0000, v12;
	v14 =	vld.idx.msk [tilespmem:v14+s17+$0x0], $0xffff  }
0x1ef: {  	v33 =	vshll.u32 v27, $0x10;
	v27 =	vand.u32 $0xFFFF0000, v27;
	v32 =	vld [tilespmem:s10+$0xFFFFFFC0]  }
0x1f0: {  	v35 =	vshll.u32 v10, $0x10;
	v10 =	vand.u32 $0xFFFF0000, v10;
	v34 =	vld [tilespmem:s10+$0xFFFFFFD0]  }
0x1f1: {  	v37 =	vshll.u32 v28, $0x10;
	v28 =	vand.u32 $0xFFFF0000, v28;
	v36 =	vld [tilespmem:s10+$0xFFFFFFE0]  }
0x1f2: {  	v39 =	vshll.u32 v9, $0x10;
	v9 =	vand.u32 $0xFFFF0000, v9;
	v38 =	vld [tilespmem:s10+$0xFFFFFFF0]  }
0x1f3: {  	v41 =	vshll.u32 v30, $0x10;
	v30 =	vand.u32 $0xFFFF0000, v30;
	v40 =	vld [tilespmem:s10+$0x0]  }
0x1f4: {  	v43 =	vshll.u32 v14, $0x10;
	v14 =	vand.u32 $0xFFFF0000, v14;
	v11 =	vmul.f32 v11, v32;
	v42 =	vld [tilespmem:s10+$0x10]  }
0x1f5: {  	v13 =	vmul.f32 v13, v32;
	v24 =	vmul.f32 v24, v32;
	v44 =	vld [tilespmem:s10+$0x20]  }
0x1f6: {  	[tilespmem:v20+s25+$0x0] =	vst.idx.add.f32.msk $0xffff, v11;
	v11 =	vmul.f32 v18, v32;
	v18 =	vmul.f32 v26, v34  }
0x1f7: {  	[tilespmem:v20+s26+$0x0] =	vst.idx.add.f32.msk $0xffff, v13;
	v13 =	vmul.f32 v21, v34;
	v21 =	vmul.f32 v25, v34  }
0x1f8: {  	v15 =	vmul.f32 v15, v34;
	v16 =	vmul.f32 v16, v36;
	[tilespmem:v20+s28+$0x0] =	vst.idx.add.f32.msk $0xffff, v24  }
0x1f9: {  	[tilespmem:v20+s29+$0x0] =	vst.idx.add.f32.msk $0xffff, v11;
	v11 =	vmul.f32 v17, v36;
	v17 =	vmul.f32 v22, v36  }
0x1fa: {  	[tilespmem:v8+s25+$0x0] =	vst.idx.add.f32.msk $0xffff, v18;
	v18 =	vmul.f32 v19, v36;
	v19 =	vmul.f32 v29, v38  }
0x1fb: {  	v20 =	vmul.f32 v31, v38;
	[tilespmem:v8+s26+$0x0] =	vst.idx.add.f32.msk $0xffff, v13;
	v13 =	vmul.f32 v23, v38  }
0x1fc: {  	v12 =	vmul.f32 v12, v38;
	[tilespmem:v8+s28+$0x0] =	vst.idx.add.f32.msk $0xffff, v21;
	v21 =	vmul.f32 v33, v40  }
0x1fd: {  	[tilespmem:v8+s29+$0x0] =	vst.idx.add.f32.msk $0xffff, v15;
	v8 =	vmul.f32 v27, v40;
	v15 =	vmul.f32 v35, v40  }
0x1fe: {  	v22 =	vmul.f32 v37, v42;
	[tilespmem:v7+s25+$0x0] =	vst.idx.add.f32.msk $0xffff, v16;
	v16 =	vmul.f32 v10, v40  }
0x1ff: {  	v23 =	vmul.f32 v39, v42;
	[tilespmem:v7+s26+$0x0] =	vst.idx.add.f32.msk $0xffff, v11;
	v11 =	vmul.f32 v28, v42  }
0x200: {  	v24 =	vmul.f32 v41, v44;
	[tilespmem:v7+s28+$0x0] =	vst.idx.add.f32.msk $0xffff, v17;
	v17 =	vmul.f32 v9, v42  }
0x201: {  	v10 =	vmul.f32 v43, v44;
	[tilespmem:v7+s29+$0x0] =	vst.idx.add.f32.msk $0xffff, v18;
	v7 =	vmul.f32 v30, v44  }
0x202: {  	v9 =	vmul.f32 v14, v44;
	[tilespmem:v6+s25+$0x0] =	vst.idx.add.f32.msk $0xffff, v19  }
0x203: {  	[tilespmem:v6+s26+$0x0] =	vst.idx.add.f32.msk $0xffff, v13  }
0x204: {  	[tilespmem:v6+s28+$0x0] =	vst.idx.add.f32.msk $0xffff, v20  }
0x205: {  	[tilespmem:v6+s29+$0x0] =	vst.idx.add.f32.msk $0xffff, v12  }
0x206: {  	[tilespmem:v5+s25+$0x0] =	vst.idx.add.f32.msk $0xffff, v21  }
0x207: {  	[tilespmem:v5+s26+$0x0] =	vst.idx.add.f32.msk $0xffff, v8  }
0x208: {  	[tilespmem:v5+s28+$0x0] =	vst.idx.add.f32.msk $0xffff, v15  }
0x209: {  	[tilespmem:v5+s29+$0x0] =	vst.idx.add.f32.msk $0xffff, v16  }
0x20a: {  	[tilespmem:v4+s25+$0x0] =	vst.idx.add.f32.msk $0xffff, v22  }
.Ltmp12:
0x20b: {  	[tilespmem:v4+s26+$0x0] =	vst.idx.add.f32.msk $0xffff, v11;
	(pc) =	sbr.rel @p0 .LBB2_17-.Ltmp12, $4  }
0x20c: {  	[tilespmem:v4+s28+$0x0] =	vst.idx.add.f32.msk $0xffff, v23  }
0x20d: {  	[tilespmem:v4+s29+$0x0] =	vst.idx.add.f32.msk $0xffff, v17  }
0x20e: {  	[tilespmem:v3+s25+$0x0] =	vst.idx.add.f32.msk $0xffff, v24  }
0x20f: {  	s9 =	sadd.s32 $0x80, s9;
	[tilespmem:v3+s26+$0x0] =	vst.idx.add.f32.msk $0xffff, v7  }
0x210: {  	_ = 	snop  }
.Ltmp13:
0x211: {  	_ = 	snop;
	(pc) =	sbr.rel .LBB2_19-.Ltmp13, $3  }
0x212: {  	_ =	sdelay $0x1  }
0x213: {  	[tilespmem:v3+s28+$0x0] =	vst.idx.add.f32.msk $0xffff, v10  }
0x214: {  	[tilespmem:v3+s29+$0x0] =	vst.idx.add.f32.msk $0xffff, v9  }
.LBB2_13:
0x215: {  	s9 =	simm.s32 @p0 $0x1B140  }
0x216: {  	v4 =	vld [tilespmem:s9+$0x30]  }
0x217: {  	v5 =	vld [tilespmem:s9+$0xFFFFFFC0]  }
0x218: {  	v6 =	vld [tilespmem:s9+$0xFFFFFFD0]  }
0x219: {  	v7 =	vld [tilespmem:s9+$0xFFFFFFE0]  }
0x21a: {  	v9 =	vld [tilespmem:s9+$0xFFFFFFF0]  }
0x21b: {  	v10 =	vld [tilespmem:s9+$0x0]  }
0x21c: {  	v12 =	vld [tilespmem:s9+$0x10]  }
0x21d: {  	s10 =	simm.s32 @p0 $0x1C140;
	v3 =	vld [tilespmem:s9+$0x20]  }
0x21e: {  	v16 =	vld [tilespmem:s10+$0x30]  }
0x21f: {  	v53 =	vld [tilespmem:s10+$0xFFFFFFC0]  }
0x220: {  	v25 =	vld [tilespmem:s10+$0xFFFFFFD0]  }
0x221: {  	v26 =	vld [tilespmem:s10+$0xFFFFFFE0];
	v8 =	vand.u32 $0xFFFF, v4  }
0x222: {  	v28 =	vld [tilespmem:s10+$0xFFFFFFF0]  }
0x223: {  	v29 =	vld [tilespmem:s10+$0x0];
	v11 =	vand.u32 $0xFFFF, v5  }
0x224: {  	v30 =	vld [tilespmem:s10+$0x10]  }
0x225: {  	v33 =	vld [tilespmem:s10+$0x20];
	v13 =	vand.u32 $0xFFFF, v6  }
0x226: {  	s6 =	smov.u32 s7;
	v14 =	vld.idx.msk [tilespmem:v8+s2+$0x0], $0xffff  }
0x227: {  	s6 =	smov.u32 @p0 s7;
	v17 =	vand.u32 $0xFFFF, v7;
	v8 =	vld.idx.msk [tilespmem:v8+s17+$0x0], $0xffff  }
0x228: {  	v15 =	vor.u32 s6, v0;
	v45 =	vld.idx.msk [tilespmem:v11+s2+$0x0], $0xffff  }
0x229: {  	vm0 =	vge.s32 v15, v1;
	vm2 =	vlt.s32 v15, v2;
	v21 =	vand.u32 $0xFFFF, v9;
	v11 =	vld.idx.msk [tilespmem:v11+s17+$0x0], $0xffff  }
0x22a: {  	vm0 =	vmand vm0, vm2;
	v47 =	vand.u32 $0xFFFF, v10;
	v18 =	vld.idx.msk [tilespmem:v13+s2+$0x0], $0xffff  }
0x22b: {  	v4 =	vshra.s32 v4, $0x10;
	v13 =	vld.idx.msk [tilespmem:v13+s17+$0x0], $0xffff  }
0x22c: {  	v20 =	vld.idx.msk [tilespmem:v17+s2+$0x0], $0xffff  }
0x22d: {  	v17 =	vld.idx.msk [tilespmem:v17+s17+$0x0], $0xffff;
	v19 =	vshll.u32 v14, $0x10  }
0x22e: {  	v49 =	vld.idx.msk [tilespmem:v21+s17+$0x0], $0xffff;
	v14 =	vand.u32 $0xFFFF0000, v14;
	v19 =	vmul.f32 v19, v16  }
0x22f: {  	v50 =	vld.idx.msk [tilespmem:v47+s2+$0x0], $0xffff;
	v22 =	vshll.u32 v8, $0x10;
	v14 =	vmul.f32 v14, v16  }
0x230: {  	v48 =	vand.u32 $0xFFFF, v12;
	v8 =	vand.u32 $0xFFFF0000, v8;
	v46 =	vmul.f32 v22, v16;
	[tilespmem:v4+s25+$0x0] =	vst.idx.add.f32.msk vm0, v19  }
0x231: {  	s12 =	sadd.s32 $0xFFFFFFF9, s6;
	v8 =	vmul.f32 v8, v16;
	[tilespmem:v4+s26+$0x0] =	vst.idx.add.f32.msk vm0, v14  }
0x232: {  	v24 =	vor.u32 s12, v0;
	[tilespmem:v4+s28+$0x0] =	vst.idx.add.f32.msk vm0, v46  }
0x233: {  	s14 =	sadd.s32 $0xFFFFFFFA, s6;
	vm2 =	vlt.s32 v24, v2;
	[tilespmem:v4+s29+$0x0] =	vst.idx.add.f32.msk vm0, v8;
	v8 =	vand.u32 $0xFFFF, v3;
	vm0 =	vge.s32 v24, v1  }
0x234: {  	v27 =	vor.u32 s14, v0;
	v51 =	vld.idx.msk [tilespmem:v47+s17+$0x0], $0xffff;
	vm2 =	vmand vm0, vm2  }
0x235: {  	s15 =	sadd.s32 $0xFFFFFFFB, s6;
	s16 =	sadd.s32 $0xFFFFFFFC, s6;
	vm3 =	vlt.s32 v27, v2;
	v5 =	vshra.s32 v5, $0x10;
	v52 =	vld.idx.msk [tilespmem:v48+s2+$0x0], $0xffff;
	vm0 =	vge.s32 v27, v1  }
0x236: {  	v31 =	vor.u32 s15, v0;
	v58 =	vor.u32 s16, v0;
	v14 =	vld.idx.msk [tilespmem:v48+s17+$0x0], $0xffff;
	vm3 =	vmand vm0, vm3  }
0x237: {  	vm4 =	vlt.s32 v31, v2;
	v6 =	vshra.s32 v6, $0x10;
	v54 =	vshll.u32 v45, $0x10;
	v4 =	vld.idx.msk [tilespmem:v21+s2+$0x0], $0xffff  }
0x238: {  	v7 =	vshra.s32 v7, $0x10;
	v15 =	vand.u32 $0xFFFF0000, v45;
	v27 =	vmul.f32 v54, v53;
	v23 =	vld.idx.msk [tilespmem:v8+s2+$0x0], $0xffff  }
0x239: {  	v9 =	vshra.s32 v9, $0x10;
	v55 =	vshll.u32 v18, $0x10;
	v15 =	vmul.f32 v15, v53;
	v8 =	vld.idx.msk [tilespmem:v8+s17+$0x0], $0xffff  }
0x23a: {  	v32 =	vshll.u32 v11, $0x10;
	v57 =	vmul.f32 v55, v25;
	vm0 =	vge.s32 v31, v1;
	[tilespmem:v5+s25+$0x0] =	vst.idx.add.f32.msk vm2, v27  }
0x23b: {  	v11 =	vand.u32 $0xFFFF0000, v11;
	v32 =	vmul.f32 v32, v53;
	vm4 =	vmand vm0, vm4;
	[tilespmem:v5+s26+$0x0] =	vst.idx.add.f32.msk vm2, v15  }
0x23c: {  	v10 =	vshra.s32 v10, $0x10;
	v56 =	vand.u32 $0xFFFF0000, v18;
	v11 =	vmul.f32 v11, v53;
	[tilespmem:v6+s25+$0x0] =	vst.idx.add.f32.msk vm3, v57  }
0x23d: {  	v12 =	vshra.s32 v12, $0x10;
	v59 =	vshll.u32 v13, $0x10;
	v15 =	vmul.f32 v56, v25;
	[tilespmem:v5+s28+$0x0] =	vst.idx.add.f32.msk vm2, v32  }
0x23e: {  	v60 =	vshll.u32 v20, $0x10;
	vm0 =	vge.s32 v58, v1;
	[tilespmem:v5+s29+$0x0] =	vst.idx.add.f32.msk vm2, v11;
	v11 =	vmul.f32 v59, v25  }
0x23f: {  	v5 =	vand.u32 $0xFFFF0000, v13;
	vm2 =	vlt.s32 v58, v2;
	[tilespmem:v6+s26+$0x0] =	vst.idx.add.f32.msk vm3, v15;
	v13 =	vmul.f32 v60, v26  }
0x240: {  	s20 =	sadd.s32 $0xFFFFFFFD, s6;
	v61 =	vand.u32 $0xFFFF0000, v20;
	v5 =	vmul.f32 v5, v25;
	vm2 =	vmand vm0, vm2;
	[tilespmem:v6+s28+$0x0] =	vst.idx.add.f32.msk vm3, v11  }
0x241: {  	v62 =	vshll.u32 v17, $0x10;
	v15 =	vmul.f32 v61, v26;
	v11 =	vor.u32 s20, v0;
	[tilespmem:v7+s25+$0x0] =	vst.idx.add.f32.msk vm4, v13  }
0x242: {  	[tilespmem:v6+s29+$0x0] =	vst.idx.add.f32.msk vm3, v5;
	v5 =	vand.u32 $0xFFFF0000, v17;
	vm0 =	vge.s32 v11, v1;
	v6 =	vmul.f32 v62, v26  }
0x243: {  	vm3 =	vlt.s32 v11, v2;
	v11 =	vshll.u32 v4, $0x10;
	[tilespmem:v7+s26+$0x0] =	vst.idx.add.f32.msk vm4, v15;
	v5 =	vmul.f32 v5, v26  }
0x244: {  	s21 =	sadd.s32 $0xFFFFFFFE, s6;
	v4 =	vand.u32 $0xFFFF0000, v4;
	vm3 =	vmand vm0, vm3;
	v11 =	vmul.f32 v11, v28;
	[tilespmem:v7+s28+$0x0] =	vst.idx.add.f32.msk vm4, v6  }
0x245: {  	v63 =	vshll.u32 v49, $0x10;
	v4 =	vmul.f32 v4, v28;
	v6 =	vor.u32 s21, v0;
	[tilespmem:v7+s29+$0x0] =	vst.idx.add.f32.msk vm4, v5  }
0x246: {  	vm0 =	vge.s32 v6, v1;
	v5 =	vand.u32 $0xFFFF0000, v49;
	v7 =	vmul.f32 v63, v28;
	[tilespmem:v9+s25+$0x0] =	vst.idx.add.f32.msk vm2, v11  }
0x247: {  	vm15 =	vlt.s32 v6, v2;
	v6 =	vshll.u32 v50, $0x10;
	v5 =	vmul.f32 v5, v28;
	[tilespmem:v9+s26+$0x0] =	vst.idx.add.f32.msk vm2, v4  }
0x248: {  	s23 =	sadd.s32 $0xFFFFFFFF, s6;
	vm4 =	vmand vm0, vm15;
	v6 =	vmul.f32 v6, v29;
	v4 =	vand.u32 $0xFFFF0000, v50;
	[tilespmem:v9+s28+$0x0] =	vst.idx.add.f32.msk vm2, v7  }
0x249: {  	v11 =	vshll.u32 v51, $0x10;
	v7 =	vor.u32 s23, v0;
	v4 =	vmul.f32 v4, v29;
	[tilespmem:v9+s29+$0x0] =	vst.idx.add.f32.msk vm2, v5  }
0x24a: {  	vm0 =	vge.s32 v7, v1;
	v5 =	vand.u32 $0xFFFF0000, v51;
	v9 =	vmul.f32 v11, v29;
	[tilespmem:v10+s25+$0x0] =	vst.idx.add.f32.msk vm3, v6  }
0x24b: {  	vm2 =	vlt.s32 v7, v2;
	v6 =	vshll.u32 v52, $0x10;
	v5 =	vmul.f32 v5, v29;
	[tilespmem:v10+s26+$0x0] =	vst.idx.add.f32.msk vm3, v4  }
0x24c: {  	s11 =	simm.s32 @p0 $0xFFFFFF80;
	vm2 =	vmand vm0, vm2;
	v4 =	vand.u32 $0xFFFF0000, v52;
	v6 =	vmul.f32 v6, v30;
	[tilespmem:v10+s28+$0x0] =	vst.idx.add.f32.msk vm3, v9  }
0x24d: {  	s11 =	sadd.s32 $0x80, s11;
	v7 =	vshra.s32 v3, $0x10;
	v3 =	vshll.u32 v14, $0x10;
	v4 =	vmul.f32 v4, v30;
	[tilespmem:v10+s29+$0x0] =	vst.idx.add.f32.msk vm3, v5  }
0x24e: {  	p0 =	slt.u32 s11, $0xF80;
	v3 =	vmul.f32 v3, v30;
	v5 =	vand.u32 $0xFFFF0000, v14;
	[tilespmem:v12+s25+$0x0] =	vst.idx.add.f32.msk vm4, v6  }
.Ltmp14:
0x24f: {  	v6 =	vshll.u32 v23, $0x10;
	v5 =	vmul.f32 v5, v30;
	[tilespmem:v12+s26+$0x0] =	vst.idx.add.f32.msk vm4, v4;
	(pc) =	sbr.rel @!p0 .LBB2_15-.Ltmp14, $4  }
0x250: {  	v4 =	vand.u32 $0xFFFF0000, v23;
	v6 =	vmul.f32 v6, v33;
	[tilespmem:v12+s28+$0x0] =	vst.idx.add.f32.msk vm4, v3  }
0x251: {  	v3 =	vmul.f32 v4, v33;
	[tilespmem:v12+s29+$0x0] =	vst.idx.add.f32.msk vm4, v5  }
0x252: {  	v4 =	vshll.u32 v8, $0x10;
	v5 =	vand.u32 $0xFFFF0000, v8;
	[tilespmem:v7+s25+$0x0] =	vst.idx.add.f32.msk vm2, v6  }
0x253: {  	s9 =	sadd.s32 $0x80, s9;
	v11 =	vmul.f32 v4, v33;
	v10 =	vmul.f32 v5, v33;
	[tilespmem:v7+s26+$0x0] =	vst.idx.add.f32.msk vm2, v3  }
.LBB2_14:
0x254: {  	v12 =	vld [tilespmem:s9+$0x30]  }
0x255: {  	v3 =	vld [tilespmem:s9+$0xFFFFFFC0]  }
0x256: {  	v4 =	vld [tilespmem:s9+$0xFFFFFFD0]  }
0x257: {  	s11 =	sadd.s32 $0x80, s11;
	v5 =	vld [tilespmem:s9+$0xFFFFFFE0]  }
0x258: {  	p0 =	slt.u32 s11, $0xF80;
	v13 =	vld [tilespmem:s9+$0xFFFFFFF0]  }
0x259: {  	v14 =	vld [tilespmem:s9+$0x0];
	v15 =	vand.u32 $0xFFFF, v12  }
0x25a: {  	v9 =	vshra.s32 v3, $0x10;
	v16 =	vand.u32 $0xFFFF, v3;
	v17 =	vld [tilespmem:s9+$0x10]  }
0x25b: {  	v8 =	vshra.s32 v4, $0x10;
	v18 =	vand.u32 $0xFFFF, v4;
	v19 =	vld [tilespmem:s9+$0x20]  }
0x25c: {  	v6 =	vshra.s32 v5, $0x10;
	v20 =	vand.u32 $0xFFFF, v5;
	[tilespmem:v7+s28+$0x0] =	vst.idx.add.f32.msk vm2, v11  }
0x25d: {  	v5 =	vshra.s32 v13, $0x10;
	v11 =	vand.u32 $0xFFFF, v13;
	[tilespmem:v7+s29+$0x0] =	vst.idx.add.f32.msk vm2, v10  }
0x25e: {  	s6 =	sadd.s32 $0x8, s6;
	s10 =	sadd.s32 $0x80, s10;
	v3 =	vshra.s32 v14, $0x10;
	v7 =	vand.u32 $0xFFFF, v14;
	v10 =	vld.idx.msk [tilespmem:v15+s2+$0x0], $0xffff  }
0x25f: {  	s12 =	sadd.s32 $0xFFFFFFFA, s6;
	s14 =	sadd.s32 $0xFFFFFFFB, s6;
	s15 =	sadd.s32 $0xFFFFFFFC, s6;
	v14 =	vor.u32 s6, v0;
	v4 =	vshra.s32 v17, $0x10;
	v13 =	vand.u32 $0xFFFF, v17;
	v17 =	vld [tilespmem:s10+$0x30]  }
0x260: {  	s16 =	sadd.s32 $0xFFFFFFFD, s6;
	s20 =	sadd.s32 $0xFFFFFFFE, s6;
	s21 =	sadd.s32 $0xFFFFFFFF, s6;
	vm0 =	vge.s32 v14, v1;
	vm2 =	vlt.s32 v14, v2;
	v21 =	vand.u32 $0xFFFF, v19;
	v14 =	vld.idx.msk [tilespmem:v15+s17+$0x0], $0xffff  }
0x261: {  	s23 =	sadd.s32 $0xFFFFFFF9, s6;
	v22 =	vor.u32 s12, v0;
	v23 =	vor.u32 s14, v0;
	vm6 =	vmand vm0, vm2;
	v15 =	vld.idx.msk [tilespmem:v16+s2+$0x0], $0xffff  }
0x262: {  	v24 =	vor.u32 s23, v0;
	v25 =	vor.u32 s15, v0;
	v12 =	vshra.s32 v12, $0x10;
	v16 =	vld.idx.msk [tilespmem:v16+s17+$0x0], $0xffff  }
0x263: {  	v27 =	vor.u32 s16, v0;
	v28 =	vor.u32 s20, v0;
	v29 =	vor.u32 s21, v0;
	v26 =	vld.idx.msk [tilespmem:v18+s2+$0x0], $0xffff  }
0x264: {  	vm4 =	vlt.s32 v24, v2;
	vm2 =	vge.s32 v24, v1;
	v24 =	vshll.u32 v10, $0x10;
	v18 =	vld.idx.msk [tilespmem:v18+s17+$0x0], $0xffff  }
0x265: {  	vm3 =	vge.s32 v22, v1;
	v10 =	vand.u32 $0xFFFF0000, v10;
	v24 =	vmul.f32 v24, v17;
	v30 =	vld.idx.msk [tilespmem:v20+s2+$0x0], $0xffff  }
0x266: {  	vm5 =	vlt.s32 v22, v2;
	v10 =	vmul.f32 v10, v17;
	v22 =	vshll.u32 v14, $0x10;
	v20 =	vld.idx.msk [tilespmem:v20+s17+$0x0], $0xffff  }
0x267: {  	v14 =	vand.u32 $0xFFFF0000, v14;
	v31 =	vshll.u32 v15, $0x10;
	v22 =	vmul.f32 v22, v17;
	[tilespmem:v12+s25+$0x0] =	vst.idx.add.f32.msk vm6, v24  }
0x268: {  	v15 =	vand.u32 $0xFFFF0000, v15;
	v24 =	vshll.u32 v16, $0x10;
	[tilespmem:v12+s26+$0x0] =	vst.idx.add.f32.msk vm6, v10;
	v10 =	vmul.f32 v14, v17  }
0x269: {  	v14 =	vand.u32 $0xFFFF0000, v16;
	v16 =	vshll.u32 v26, $0x10;
	v17 =	vand.u32 $0xFFFF0000, v26;
	[tilespmem:v12+s28+$0x0] =	vst.idx.add.f32.msk vm6, v22  }
0x26a: {  	vm0 =	vge.s32 v23, v1;
	v22 =	vshll.u32 v18, $0x10;
	v18 =	vand.u32 $0xFFFF0000, v18;
	[tilespmem:v12+s29+$0x0] =	vst.idx.add.f32.msk vm6, v10  }
0x26b: {  	vm6 =	vlt.s32 v23, v2;
	v10 =	vshll.u32 v30, $0x10;
	v12 =	vand.u32 $0xFFFF0000, v30;
	v23 =	vld.idx.msk [tilespmem:v11+s2+$0x0], $0xffff  }
0x26c: {  	vm9 =	vge.s32 v25, v1;
	v26 =	vshll.u32 v20, $0x10;
	v20 =	vand.u32 $0xFFFF0000, v20;
	v11 =	vld.idx.msk [tilespmem:v11+s17+$0x0], $0xffff  }
0x26d: {  	vm10 =	vlt.s32 v25, v2;
	vm11 =	vge.s32 v27, v1;
	vm12 =	vlt.s32 v27, v2;
	v25 =	vld.idx.msk [tilespmem:v7+s2+$0x0], $0xffff  }
0x26e: {  	vm13 =	vge.s32 v28, v1;
	vm14 =	vlt.s32 v28, v2;
	vm15 =	vge.s32 v29, v1;
	v27 =	vld.idx.msk [tilespmem:v7+s17+$0x0], $0xffff  }
0x26f: {  	vm8 =	vmand vm2, vm4;
	vm2 =	vlt.s32 v29, v2;
	v7 =	vshra.s32 v19, $0x10;
	v28 =	vld.idx.msk [tilespmem:v13+s2+$0x0], $0xffff  }
0x270: {  	vm7 =	vmand vm3, vm5;
	vm5 =	vmand vm9, vm10;
	vm6 =	vmand vm0, vm6;
	v13 =	vld.idx.msk [tilespmem:v13+s17+$0x0], $0xffff  }
0x271: {  	vm4 =	vmand vm11, vm12;
	v19 =	vshll.u32 v23, $0x10;
	v23 =	vand.u32 $0xFFFF0000, v23;
	v29 =	vld.idx.msk [tilespmem:v21+s2+$0x0], $0xffff  }
0x272: {  	vm3 =	vmand vm13, vm14;
	v30 =	vshll.u32 v11, $0x10;
	v11 =	vand.u32 $0xFFFF0000, v11;
	v21 =	vld.idx.msk [tilespmem:v21+s17+$0x0], $0xffff  }
0x273: {  	vm2 =	vmand vm15, vm2;
	v33 =	vshll.u32 v25, $0x10;
	v25 =	vand.u32 $0xFFFF0000, v25;
	v32 =	vld [tilespmem:s10+$0xFFFFFFC0]  }
0x274: {  	v35 =	vshll.u32 v27, $0x10;
	v27 =	vand.u32 $0xFFFF0000, v27;
	v34 =	vld [tilespmem:s10+$0xFFFFFFD0]  }
0x275: {  	v37 =	vshll.u32 v28, $0x10;
	v28 =	vand.u32 $0xFFFF0000, v28;
	v36 =	vld [tilespmem:s10+$0xFFFFFFE0]  }
0x276: {  	v39 =	vshll.u32 v13, $0x10;
	v13 =	vand.u32 $0xFFFF0000, v13;
	v38 =	vld [tilespmem:s10+$0xFFFFFFF0]  }
0x277: {  	v41 =	vshll.u32 v29, $0x10;
	v29 =	vand.u32 $0xFFFF0000, v29;
	v40 =	vld [tilespmem:s10+$0x0]  }
0x278: {  	v43 =	vshll.u32 v21, $0x10;
	v21 =	vand.u32 $0xFFFF0000, v21;
	v31 =	vmul.f32 v31, v32;
	v42 =	vld [tilespmem:s10+$0x10]  }
0x279: {  	v15 =	vmul.f32 v15, v32;
	v24 =	vmul.f32 v24, v32;
	v44 =	vld [tilespmem:s10+$0x20]  }
0x27a: {  	v14 =	vmul.f32 v14, v32;
	v16 =	vmul.f32 v16, v34;
	[tilespmem:v9+s25+$0x0] =	vst.idx.add.f32.msk vm8, v31  }
0x27b: {  	[tilespmem:v9+s26+$0x0] =	vst.idx.add.f32.msk vm8, v15;
	v15 =	vmul.f32 v17, v34;
	v17 =	vmul.f32 v22, v34  }
0x27c: {  	v18 =	vmul.f32 v18, v34;
	v10 =	vmul.f32 v10, v36;
	[tilespmem:v9+s28+$0x0] =	vst.idx.add.f32.msk vm8, v24  }
0x27d: {  	[tilespmem:v9+s29+$0x0] =	vst.idx.add.f32.msk vm8, v14;
	v9 =	vmul.f32 v12, v36;
	v12 =	vmul.f32 v26, v36  }
0x27e: {  	v14 =	vmul.f32 v20, v36;
	[tilespmem:v8+s25+$0x0] =	vst.idx.add.f32.msk vm7, v16;
	v16 =	vmul.f32 v19, v38  }
0x27f: {  	v19 =	vmul.f32 v30, v38;
	[tilespmem:v8+s26+$0x0] =	vst.idx.add.f32.msk vm7, v15;
	v15 =	vmul.f32 v23, v38  }
0x280: {  	v20 =	vmul.f32 v33, v40;
	[tilespmem:v8+s28+$0x0] =	vst.idx.add.f32.msk vm7, v17;
	v17 =	vmul.f32 v11, v38  }
0x281: {  	[tilespmem:v8+s29+$0x0] =	vst.idx.add.f32.msk vm7, v18;
	v8 =	vmul.f32 v25, v40;
	v18 =	vmul.f32 v35, v40  }
0x282: {  	v22 =	vmul.f32 v27, v40;
	v23 =	vmul.f32 v37, v42;
	[tilespmem:v6+s25+$0x0] =	vst.idx.add.f32.msk vm6, v10  }
0x283: {  	v24 =	vmul.f32 v39, v42;
	[tilespmem:v6+s26+$0x0] =	vst.idx.add.f32.msk vm6, v9;
	v9 =	vmul.f32 v28, v42  }
0x284: {  	[tilespmem:v6+s28+$0x0] =	vst.idx.add.f32.msk vm6, v12;
	v12 =	vmul.f32 v13, v42;
	v13 =	vmul.f32 v41, v44  }
0x285: {  	v11 =	vmul.f32 v43, v44;
	[tilespmem:v6+s29+$0x0] =	vst.idx.add.f32.msk vm6, v14;
	v6 =	vmul.f32 v29, v44  }
0x286: {  	v10 =	vmul.f32 v21, v44;
	[tilespmem:v5+s25+$0x0] =	vst.idx.add.f32.msk vm5, v16  }
0x287: {  	[tilespmem:v5+s26+$0x0] =	vst.idx.add.f32.msk vm5, v15  }
0x288: {  	[tilespmem:v5+s28+$0x0] =	vst.idx.add.f32.msk vm5, v19  }
0x289: {  	[tilespmem:v5+s29+$0x0] =	vst.idx.add.f32.msk vm5, v17  }
0x28a: {  	[tilespmem:v3+s25+$0x0] =	vst.idx.add.f32.msk vm4, v20  }
0x28b: {  	[tilespmem:v3+s26+$0x0] =	vst.idx.add.f32.msk vm4, v8  }
0x28c: {  	[tilespmem:v3+s28+$0x0] =	vst.idx.add.f32.msk vm4, v18  }
0x28d: {  	[tilespmem:v3+s29+$0x0] =	vst.idx.add.f32.msk vm4, v22  }
0x28e: {  	[tilespmem:v4+s25+$0x0] =	vst.idx.add.f32.msk vm3, v23  }
.Ltmp15:
0x28f: {  	[tilespmem:v4+s26+$0x0] =	vst.idx.add.f32.msk vm3, v9;
	(pc) =	sbr.rel @p0 .LBB2_14-.Ltmp15, $4  }
0x290: {  	[tilespmem:v4+s28+$0x0] =	vst.idx.add.f32.msk vm3, v24  }
0x291: {  	[tilespmem:v4+s29+$0x0] =	vst.idx.add.f32.msk vm3, v12  }
0x292: {  	[tilespmem:v7+s25+$0x0] =	vst.idx.add.f32.msk vm2, v13  }
0x293: {  	s9 =	sadd.s32 $0x80, s9;
	[tilespmem:v7+s26+$0x0] =	vst.idx.add.f32.msk vm2, v6  }
.Ltmp16:
0x294: {  	_ = 	snop;
	(pc) =	sbr.rel .LBB2_15-.Ltmp16, $1  }
0x295: {  	_ =	sdelay $0x3  }
.LBB2_21:
0x296: {  	_ =	sfence.sel $0x180000  }
0x297: {  	[bflag:$0x0] =	sbarrier.arrive $0xFFFF  }
0x298: {  	_ =	strace $0x90000047  }
0x299: {  	s0 =	stileid.u32;
	[bflag:$0x2] =	sbarrier.arrive $0xFFFF  }
0x29a: {  	p0 =	sne.s32 s0, $0x0;
	s0 =	rddreg [dreg:$0x2]  }
0x29b: {  	s0 =	sadd.s32 @!p0 $0x100000, s0  }
0x29c: {  	[sflag:s0] =	ssyncadd.tile.s32 @!p0 $0x1;
	_ =	shalt  }
.Lfunc_end2:
_tile_overlayer_lowered:
.L_overlay_start_2:
0x29d: {  	(tag) =	ssettag $0x2  }
0x29e: {  	s0 =	rddreg [dreg:$0x0];
	s2 =	stileid.u32  }
0x29f: {  	s1 =	rddreg [dreg:$0x1];
	p0 =	sne.s32 s2, $0x0  }
0x2a0: {  	s3 =	rddreg [dreg:$0x2];
	[bflag:$0x3] =	sbarrier.arrive $0xFFFF;
	s2 =	simm.s32 @!p0 $0x1C03  }
0x2a1: {  	[timem:s3], [sflag:s2] =	dma.local @!p0 [hbm:s0], s1  }
0x2a2: {  	s0 =	simm.s32 @!p0 $0x3  }
0x2a3: {  	_ =	swait.ge @!p0 [sflag:s0], s1  }
0x2a4: {  	s1 =	ssub.s32 @!p0 $0x0, s1;
	[sflag:s0] =	ssyncset.done @!p0 $0x0  }
0x2a5: {  	[sflag:s0] =	ssyncadd.s32 @!p0 s1  }
0x2a6: {  	[bflag:$0x3] =	sbarrier.arrive $0xFFFF  }
0x2a7: {  	_ =	shalt  }

</sc_bundles>
